<compile_context>
chip_gen: v7x
topology: tpu7x:2x2x1
jax: 0.10.2.dev20260603
libtpu: 0.0.44.dev20260713+nightly
codegen_flags: <defaults>
</compile_context>

<pallas_src>
import jax
import jax.numpy as jnp
from jax import lax
from jax.experimental import pallas as pl
from jax.experimental.pallas import tpu as pltpu
from jax.experimental.pallas import tpu_sc as plsc

N, S, H, W, D = 8, 32, 14, 14, 8
E = 64
NC = 2


def _sc_body(table_hbm, out_hbm, buf, row_buf, sem):
    s = lax.axis_index("s") * NC + lax.axis_index("c")

    t0 = (s // 8) * 8
    pltpu.sync_copy(table_hbm.at[pl.ds(t0, 8)], row_buf)
    r = s - t0

    regs = [row_buf[r, pl.ds(16 * j, 16)] for j in range(4)]

    def rep(i, carry):
        h = i // W
        w = lax.rem(i, W)
        for d in range(D):
            for j in range(4):
                buf[h, w, d, pl.ds(16 * j, 16)] = regs[j]
        return carry

    lax.fori_loop(0, (H // 2) * W, rep, 0)

    copies = [
        pltpu.async_copy(buf, out_hbm.at[n, s, pl.ds(half * (H // 2), H // 2)], sem)
        for n in range(N)
        for half in range(2)
    ]
    for c in copies:
        c.wait()


@jax.jit
def _sc_embed(table):
    mesh = plsc.VectorSubcoreMesh(core_axis_name="c", subcore_axis_name="s")
    k = pl.kernel(
        _sc_body,
        mesh=mesh,
        out_type=jax.ShapeDtypeStruct((N, S, H, W, D, E), jnp.float32),
        scratch_types=[
            pltpu.VMEM((H // 2, W, D, E), jnp.float32),
            pltpu.VMEM((8, E), jnp.float32),
            pltpu.SemaphoreType.DMA,
        ],
    )
    return k(table[:S])


def kernel(x, table):
    assert x.shape == (N, S, H, W, D) and table.shape[1] == E
    return _sc_embed(table)

# --- scband reference (transcript-rebuilt; emitter-appended) ---
"""Pipeline reference for scband-positional-embedding-16638703305163 (READ-ONLY COPY).

The authoritative reference and input builder live on the scoring server;
editing this copy changes nothing except your own understanding.
"""

import jax, jax.numpy as jnp
import numpy as np

NUM_POSITIONS = 200  # cfg['bptt'] + cfg['pred_length'] = 160 + 40
EMBEDDING_SIZE = 64


def setup_inputs(seed: int = 0) -> dict:
    key = jax.random.key(seed)
    kx, kt = jax.random.split(key)
    x = jax.random.normal(kx, (8, 32, 14, 14, 8), dtype=jnp.float32)
    table = jax.random.normal(kt, (NUM_POSITIONS, EMBEDDING_SIZE), dtype=jnp.float32)
    return {"x": x, "table": table}


def reference(x, table):
    # Faithful translation of PositionalEmbedding.forward:
    # position = arange(S) expanded to x's shape, then embedding lookup.
    N, S, H, W, D = x.shape
    position = jnp.broadcast_to(
        jnp.arange(S, dtype=jnp.int32).reshape(1, S, 1, 1, 1), (N, S, H, W, D)
    )
    out = jnp.take(table, position, axis=0)  # [N, S, H, W, D, embedding_size]
    return out

if __name__ == "__main__":
    import jax
    _d = setup_inputs()
    print(jax.jit(kernel)(*tuple(_d.values())))

</pallas_src>

<mosaic_0001>
#map = affine_map<(d0, d1) -> (0, 0)>
#map1 = affine_map<(d0, d1) -> (0, 0, 0, 0, 0, 0)>
module attributes {stable_mosaic.version = 14 : i64} {
  func.func @_sc_body(%arg0: i32, %arg1: i32, %arg2: memref<32x64xf32, #tpu.memory_space<hbm>>, %arg3: memref<8x32x14x14x8x64xf32, #tpu.memory_space<hbm>>, %arg4: memref<7x14x8x64xf32, #tpu.memory_space<vmem>>, %arg5: memref<8x64xf32, #tpu.memory_space<vmem>>, %arg6: memref<!tpu.dma_semaphore, #tpu.memory_space<semaphore_mem>>) attributes {dimension_semantics = [#tpu.dimension_semantics<core_parallel>, #tpu.dimension_semantics<subcore_parallel>], iteration_bounds = array<i64: 2, 16>, scalar_prefetch = 0 : i64, scratch_operands = 3 : i64, tpu.core_type = #tpu.core_type<sc_vector_subcore>, window_params = [{transform_indices = #map}, {transform_indices = #map1}]} {
    %mul3A = arith.constant 2 : i32
    %mul3A_0 = arith.muli %arg1, %mul3A : i32
    %add3A = arith.addi %mul3A_0, %arg0 : i32
    %jit3A = arith.constant 8 : i32
    %div3A = arith.divsi %add3A, %jit3A : i32
    %sign3A = arith.constant 0 : i32
    %sign3A_1 = arith.cmpi sgt, %add3A, %sign3A : i32
    %sign3A_2 = arith.extui %sign3A_1 : i1 to i32
    %sign3A_3 = arith.constant 0 : i32
    %sign3A_4 = arith.cmpi slt, %add3A, %sign3A_3 : i32
    %sign3A_5 = arith.extui %sign3A_4 : i1 to i32
    %sign3A_6 = arith.subi %sign3A_2, %sign3A_5 : i32
    %sign3A_7 = arith.constant 0 : i32
    %sign3A_8 = arith.cmpi sgt, %jit3A, %sign3A_7 : i32
    %sign3A_9 = arith.extui %sign3A_8 : i1 to i32
    %sign3A_10 = arith.constant 0 : i32
    %sign3A_11 = arith.cmpi slt, %jit3A, %sign3A_10 : i32
    %sign3A_12 = arith.extui %sign3A_11 : i1 to i32
    %sign3A_13 = arith.subi %sign3A_9, %sign3A_12 : i32
    %ne3A = arith.cmpi ne, %sign3A_6, %sign3A_13 : i32
    %rem3A = arith.remsi %add3A, %jit3A : i32
    %ne3A_14 = arith.constant 0 : i32
    %ne3A_15 = arith.cmpi ne, %rem3A, %ne3A_14 : i32
    %and3A = arith.andi %ne3A, %ne3A_15 : i1
    %sub3A = arith.constant 1 : i32
    %sub3A_16 = arith.subi %div3A, %sub3A : i32
    %select_n3A = arith.select %and3A, %sub3A_16, %div3A : i32
    %mul3A_17 = arith.constant 8 : i32
    %mul3A_18 = arith.muli %select_n3A, %mul3A_17 : i32
    "tpu.region"() ({
      %run_scoped3A = tpu.sem_alloc : memref<!tpu.dma_semaphore, #tpu.memory_space<semaphore_mem>>
      %dma_start3A_454 = arith.constant 0 : i32
      %dma_start3A_455 = tpu.memref_slice %arg2[%mul3A_18, %dma_start3A_454] : memref<32x64xf32, #tpu.memory_space<hbm>> -> memref<8x64xf32, #tpu.memory_space<hbm>>
      %dma_start3A_456 = arith.constant 0 : i32
      %dma_start3A_457 = tpu.memref_slice %arg2[%mul3A_18, %dma_start3A_456] : memref<32x64xf32, #tpu.memory_space<hbm>> -> memref<8x64xf32, #tpu.memory_space<hbm>>
      tpu.enqueue_dma source(%dma_start3A_457 : memref<8x64xf32, #tpu.memory_space<hbm>>) target(%arg5 : memref<8x64xf32, #tpu.memory_space<vmem>>) target_semaphore(%run_scoped3A : memref<!tpu.dma_semaphore, #tpu.memory_space<semaphore_mem>>)
      %dma_wait3A_458 = arith.constant 0 : i32
      %dma_wait3A_459 = tpu.memref_slice %arg2[%mul3A_18, %dma_wait3A_458] : memref<32x64xf32, #tpu.memory_space<hbm>> -> memref<8x64xf32, #tpu.memory_space<hbm>>
      %dma_wait3A_460 = arith.constant 0 : i32
      %dma_wait3A_461 = tpu.memref_slice %arg2[%mul3A_18, %dma_wait3A_460] : memref<32x64xf32, #tpu.memory_space<hbm>> -> memref<8x64xf32, #tpu.memory_space<hbm>>
      tpu.wait_dma2 semaphore(%run_scoped3A : memref<!tpu.dma_semaphore, #tpu.memory_space<semaphore_mem>>) src(%dma_wait3A_461 : memref<8x64xf32, #tpu.memory_space<hbm>>) dst(%arg5 : memref<8x64xf32, #tpu.memory_space<vmem>>)
      tpu.yield
    }) : () -> ()
    %sub3A_19 = arith.subi %add3A, %mul3A_18 : i32
    %get3A = arith.index_cast %sub3A_19 : i32 to index
    %get3A_20 = arith.constant 0 : index
    %get3A_21 = tpu.vector_load %arg5[%get3A, %get3A_20] {strides = array<i32>} : memref<8x64xf32, #tpu.memory_space<vmem>>, vector<1x16xf32>,
    %get3A_22 = vector.shape_cast %get3A_21 : vector<1x16xf32> to vector<16xf32>
    %get3A_23 = arith.index_cast %sub3A_19 : i32 to index
    %get3A_24 = arith.constant 16 : index
    %get3A_25 = tpu.vector_load %arg5[%get3A_23, %get3A_24] {strides = array<i32>} : memref<8x64xf32, #tpu.memory_space<vmem>>, vector<1x16xf32>,
    %get3A_26 = vector.shape_cast %get3A_25 : vector<1x16xf32> to vector<16xf32>
    %get3A_27 = arith.index_cast %sub3A_19 : i32 to index
    %get3A_28 = arith.constant 32 : index
    %get3A_29 = tpu.vector_load %arg5[%get3A_27, %get3A_28] {strides = array<i32>} : memref<8x64xf32, #tpu.memory_space<vmem>>, vector<1x16xf32>,
    %get3A_30 = vector.shape_cast %get3A_29 : vector<1x16xf32> to vector<16xf32>
    %get3A_31 = arith.index_cast %sub3A_19 : i32 to index
    %get3A_32 = arith.constant 48 : index
    %get3A_33 = tpu.vector_load %arg5[%get3A_31, %get3A_32] {strides = array<i32>} : memref<8x64xf32, #tpu.memory_space<vmem>>, vector<1x16xf32>,
    %get3A_34 = vector.shape_cast %get3A_33 : vector<1x16xf32> to vector<16xf32>
    %scan3A = arith.constant 0 : i32
    %scan3A_35 = arith.constant 0 : i32
    %scan3A_36 = arith.constant 98 : i32
    %scan3A_37 = arith.addi %scan3A_35, %scan3A_36 : i32
    %scan3A_38 = arith.constant 1 : i32
    scf.for %scan3A_454 = %scan3A_35 to %scan3A_37 step %scan3A_38  : i32 {
      %jit3A_455 = arith.constant 14 : i32
      %div3A_456 = arith.divsi %scan3A_454, %jit3A_455 : i32
      %sign3A_457 = arith.constant 0 : i32
      %sign3A_458 = arith.cmpi sgt, %scan3A_454, %sign3A_457 : i32
      %sign3A_459 = arith.extui %sign3A_458 : i1 to i32
      %sign3A_460 = arith.constant 0 : i32
      %sign3A_461 = arith.cmpi slt, %scan3A_454, %sign3A_460 : i32
      %sign3A_462 = arith.extui %sign3A_461 : i1 to i32
      %sign3A_463 = arith.subi %sign3A_459, %sign3A_462 : i32
      %sign3A_464 = arith.constant 0 : i32
      %sign3A_465 = arith.cmpi sgt, %jit3A_455, %sign3A_464 : i32
      %sign3A_466 = arith.extui %sign3A_465 : i1 to i32
      %sign3A_467 = arith.constant 0 : i32
      %sign3A_468 = arith.cmpi slt, %jit3A_455, %sign3A_467 : i32
      %sign3A_469 = arith.extui %sign3A_468 : i1 to i32
      %sign3A_470 = arith.subi %sign3A_466, %sign3A_469 : i32
      %ne3A_471 = arith.cmpi ne, %sign3A_463, %sign3A_470 : i32
      %rem3A_472 = arith.remsi %scan3A_454, %jit3A_455 : i32
      %ne3A_473 = arith.constant 0 : i32
      %ne3A_474 = arith.cmpi ne, %rem3A_472, %ne3A_473 : i32
      %and3A_475 = arith.andi %ne3A_471, %ne3A_474 : i1
      %sub3A_476 = arith.constant 1 : i32
      %sub3A_477 = arith.subi %div3A_456, %sub3A_476 : i32
      %select_n3A_478 = arith.select %and3A_475, %sub3A_477, %div3A_456 : i32
      %rem3A_479 = arith.constant 14 : i32
      %rem3A_480 = arith.remsi %scan3A_454, %rem3A_479 : i32
      %swap3A = arith.constant 0 : i32
      %swap3A_481 = arith.index_cast %select_n3A_478 : i32 to index
      %swap3A_482 = arith.index_cast %rem3A_480 : i32 to index
      %swap3A_483 = arith.index_cast %swap3A : i32 to index
      %swap3A_484 = arith.constant 0 : index
      %swap3A_485 = tpu.vector_load %arg4[%swap3A_481, %swap3A_482, %swap3A_483, %swap3A_484] {strides = array<i32>} : memref<7x14x8x64xf32, #tpu.memory_space<vmem>>, vector<1x1x1x16xf32>,
      %swap3A_486 = vector.shape_cast %swap3A_485 : vector<1x1x1x16xf32> to vector<16xf32>
      %swap3A_487 = vector.shape_cast %get3A_22 : vector<16xf32> to vector<1x1x1x16xf32>
      tpu.vector_store %arg4[%swap3A_481, %swap3A_482, %swap3A_483, %swap3A_484], %swap3A_487 {strides = array<i32>} : memref<7x14x8x64xf32, #tpu.memory_space<vmem>>, vector<1x1x1x16xf32>,
      %swap3A_488 = arith.constant 0 : i32
      %swap3A_489 = arith.index_cast %select_n3A_478 : i32 to index
      %swap3A_490 = arith.index_cast %rem3A_480 : i32 to index
      %swap3A_491 = arith.index_cast %swap3A_488 : i32 to index
      %swap3A_492 = arith.constant 16 : index
      %swap3A_493 = tpu.vector_load %arg4[%swap3A_489, %swap3A_490, %swap3A_491, %swap3A_492] {strides = array<i32>} : memref<7x14x8x64xf32, #tpu.memory_space<vmem>>, vector<1x1x1x16xf32>,
      %swap3A_494 = vector.shape_cast %swap3A_493 : vector<1x1x1x16xf32> to vector<16xf32>
      %swap3A_495 = vector.shape_cast %get3A_26 : vector<16xf32> to vector<1x1x1x16xf32>
      tpu.vector_store %arg4[%swap3A_489, %swap3A_490, %swap3A_491, %swap3A_492], %swap3A_495 {strides = array<i32>} : memref<7x14x8x64xf32, #tpu.memory_space<vmem>>, vector<1x1x1x16xf32>,
      %swap3A_496 = arith.constant 0 : i32
      %swap3A_497 = arith.index_cast %select_n3A_478 : i32 to index
      %swap3A_498 = arith.index_cast %rem3A_480 : i32 to index
      %swap3A_499 = arith.index_cast %swap3A_496 : i32 to index
      %swap3A_500 = arith.constant 32 : index
      %swap3A_501 = tpu.vector_load %arg4[%swap3A_497, %swap3A_498, %swap3A_499, %swap3A_500] {strides = array<i32>} : memref<7x14x8x64xf32, #tpu.memory_space<vmem>>, vector<1x1x1x16xf32>,
      %swap3A_502 = vector.shape_cast %swap3A_501 : vector<1x1x1x16xf32> to vector<16xf32>
      %swap3A_503 = vector.shape_cast %get3A_30 : vector<16xf32> to vector<1x1x1x16xf32>
      tpu.vector_store %arg4[%swap3A_497, %swap3A_498, %swap3A_499, %swap3A_500], %swap3A_503 {strides = array<i32>} : memref<7x14x8x64xf32, #tpu.memory_space<vmem>>, vector<1x1x1x16xf32>,
      %swap3A_504 = arith.constant 0 : i32
      %swap3A_505 = arith.index_cast %select_n3A_478 : i32 to index
      %swap3A_506 = arith.index_cast %rem3A_480 : i32 to index
      %swap3A_507 = arith.index_cast %swap3A_504 : i32 to index
      %swap3A_508 = arith.constant 48 : index
      %swap3A_509 = tpu.vector_load %arg4[%swap3A_505, %swap3A_506, %swap3A_507, %swap3A_508] {strides = array<i32>} : memref<7x14x8x64xf32, #tpu.memory_space<vmem>>, vector<1x1x1x16xf32>,
      %swap3A_510 = vector.shape_cast %swap3A_509 : vector<1x1x1x16xf32> to vector<16xf32>
      %swap3A_511 = vector.shape_cast %get3A_34 : vector<16xf32> to vector<1x1x1x16xf32>
      tpu.vector_store %arg4[%swap3A_505, %swap3A_506, %swap3A_507, %swap3A_508], %swap3A_511 {strides = array<i32>} : memref<7x14x8x64xf32, #tpu.memory_space<vmem>>, vector<1x1x1x16xf32>,
      %swap3A_512 = arith.constant 1 : i32
      %swap3A_513 = arith.index_cast %select_n3A_478 : i32 to index
      %swap3A_514 = arith.index_cast %rem3A_480 : i32 to index
      %swap3A_515 = arith.index_cast %swap3A_512 : i32 to index
      %swap3A_516 = arith.constant 0 : index
      %swap3A_517 = tpu.vector_load %arg4[%swap3A_513, %swap3A_514, %swap3A_515, %swap3A_516] {strides = array<i32>} : memref<7x14x8x64xf32, #tpu.memory_space<vmem>>, vector<1x1x1x16xf32>,
      %swap3A_518 = vector.shape_cast %swap3A_517 : vector<1x1x1x16xf32> to vector<16xf32>
      %swap3A_519 = vector.shape_cast %get3A_22 : vector<16xf32> to vector<1x1x1x16xf32>
      tpu.vector_store %arg4[%swap3A_513, %swap3A_514, %swap3A_515, %swap3A_516], %swap3A_519 {strides = array<i32>} : memref<7x14x8x64xf32, #tpu.memory_space<vmem>>, vector<1x1x1x16xf32>,
      %swap3A_520 = arith.constant 1 : i32
      %swap3A_521 = arith.index_cast %select_n3A_478 : i32 to index
      %swap3A_522 = arith.index_cast %rem3A_480 : i32 to index
      %swap3A_523 = arith.index_cast %swap3A_520 : i32 to index
      %swap3A_524 = arith.constant 16 : index
      %swap3A_525 = tpu.vector_load %arg4[%swap3A_521, %swap3A_522, %swap3A_523, %swap3A_524] {strides = array<i32>} : memref<7x14x8x64xf32, #tpu.memory_space<vmem>>, vector<1x1x1x16xf32>,
      %swap3A_526 = vector.shape_cast %swap3A_525 : vector<1x1x1x16xf32> to vector<16xf32>
      %swap3A_527 = vector.shape_cast %get3A_26 : vector<16xf32> to vector<1x1x1x16xf32>
      tpu.vector_store %arg4[%swap3A_521, %swap3A_522, %swap3A_523, %swap3A_524], %swap3A_527 {strides = array<i32>} : memref<7x14x8x64xf32, #tpu.memory_space<vmem>>, vector<1x1x1x16xf32>,
      %swap3A_528 = arith.constant 1 : i32
      %swap3A_529 = arith.index_cast %select_n3A_478 : i32 to index
      %swap3A_530 = arith.index_cast %rem3A_480 : i32 to index
      %swap3A_531 = arith.index_cast %swap3A_528 : i32 to index
      %swap3A_532 = arith.constant 32 : index
      %swap3A_533 = tpu.vector_load %arg4[%swap3A_529, %swap3A_530, %swap3A_531, %swap3A_532] {strides = array<i32>} : memref<7x14x8x64xf32, #tpu.memory_space<vmem>>, vector<1x1x1x16xf32>,
      %swap3A_534 = vector.shape_cast %swap3A_533 : vector<1x1x1x16xf32> to vector<16xf32>
      %swap3A_535 = vector.shape_cast %get3A_30 : vector<16xf32> to vector<1x1x1x16xf32>
      tpu.vector_store %arg4[%swap3A_529, %swap3A_530, %swap3A_531, %swap3A_532], %swap3A_535 {strides = array<i32>} : memref<7x14x8x64xf32, #tpu.memory_space<vmem>>, vector<1x1x1x16xf32>,
      %swap3A_536 = arith.constant 1 : i32
      %swap3A_537 = arith.index_cast %select_n3A_478 : i32 to index
      %swap3A_538 = arith.index_cast %rem3A_480 : i32 to index
      %swap3A_539 = arith.index_cast %swap3A_536 : i32 to index
      %swap3A_540 = arith.constant 48 : index
      %swap3A_541 = tpu.vector_load %arg4[%swap3A_537, %swap3A_538, %swap3A_539, %swap3A_540] {strides = array<i32>} : memref<7x14x8x64xf32, #tpu.memory_space<vmem>>, vector<1x1x1x16xf32>,
      %swap3A_542 = vector.shape_cast %swap3A_541 : vector<1x1x1x16xf32> to vector<16xf32>
      %swap3A_543 = vector.shape_cast %get3A_34 : vector<16xf32> to vector<1x1x1x16xf32>
      tpu.vector_store %arg4[%swap3A_537, %swap3A_538, %swap3A_539, %swap3A_540], %swap3A_543 {strides = array<i32>} : memref<7x14x8x64xf32, #tpu.memory_space<vmem>>, vector<1x1x1x16xf32>,
      %swap3A_544 = arith.constant 2 : i32
      %swap3A_545 = arith.index_cast %select_n3A_478 : i32 to index
      %swap3A_546 = arith.index_cast %rem3A_480 : i32 to index
      %swap3A_547 = arith.index_cast %swap3A_544 : i32 to index
      %swap3A_548 = arith.constant 0 : index
      %swap3A_549 = tpu.vector_load %arg4[%swap3A_545, %swap3A_546, %swap3A_547, %swap3A_548] {strides = array<i32>} : memref<7x14x8x64xf32, #tpu.memory_space<vmem>>, vector<1x1x1x16xf32>,
      %swap3A_550 = vector.shape_cast %swap3A_549 : vector<1x1x1x16xf32> to vector<16xf32>
      %swap3A_551 = vector.shape_cast %get3A_22 : vector<16xf32> to vector<1x1x1x16xf32>
      tpu.vector_store %arg4[%swap3A_545, %swap3A_546, %swap3A_547, %swap3A_548], %swap3A_551 {strides = array<i32>} : memref<7x14x8x64xf32, #tpu.memory_space<vmem>>, vector<1x1x1x16xf32>,
      %swap3A_552 = arith.constant 2 : i32
      %swap3A_553 = arith.index_cast %select_n3A_478 : i32 to index
      %swap3A_554 = arith.index_cast %rem3A_480 : i32 to index
      %swap3A_555 = arith.index_cast %swap3A_552 : i32 to index
      %swap3A_556 = arith.constant 16 : index
      %swap3A_557 = tpu.vector_load %arg4[%swap3A_553, %swap3A_554, %swap3A_555, %swap3A_556] {strides = array<i32>} : memref<7x14x8x64xf32, #tpu.memory_space<vmem>>, vector<1x1x1x16xf32>,
      %swap3A_558 = vector.shape_cast %swap3A_557 : vector<1x1x1x16xf32> to vector<16xf32>
      %swap3A_559 = vector.shape_cast %get3A_26 : vector<16xf32> to vector<1x1x1x16xf32>
      tpu.vector_store %arg4[%swap3A_553, %swap3A_554, %swap3A_555, %swap3A_556], %swap3A_559 {strides = array<i32>} : memref<7x14x8x64xf32, #tpu.memory_space<vmem>>, vector<1x1x1x16xf32>,
      %swap3A_560 = arith.constant 2 : i32
      %swap3A_561 = arith.index_cast %select_n3A_478 : i32 to index
      %swap3A_562 = arith.index_cast %rem3A_480 : i32 to index
      %swap3A_563 = arith.index_cast %swap3A_560 : i32 to index
      %swap3A_564 = arith.constant 32 : index
      %swap3A_565 = tpu.vector_load %arg4[%swap3A_561, %swap3A_562, %swap3A_563, %swap3A_564] {strides = array<i32>} : memref<7x14x8x64xf32, #tpu.memory_space<vmem>>, vector<1x1x1x16xf32>,
      %swap3A_566 = vector.shape_cast %swap3A_565 : vector<1x1x1x16xf32> to vector<16xf32>
      %swap3A_567 = vector.shape_cast %get3A_30 : vector<16xf32> to vector<1x1x1x16xf32>
      tpu.vector_store %arg4[%swap3A_561, %swap3A_562, %swap3A_563, %swap3A_564], %swap3A_567 {strides = array<i32>} : memref<7x14x8x64xf32, #tpu.memory_space<vmem>>, vector<1x1x1x16xf32>,
      %swap3A_568 = arith.constant 2 : i32
      %swap3A_569 = arith.index_cast %select_n3A_478 : i32 to index
      %swap3A_570 = arith.index_cast %rem3A_480 : i32 to index
      %swap3A_571 = arith.index_cast %swap3A_568 : i32 to index
      %swap3A_572 = arith.constant 48 : index
      %swap3A_573 = tpu.vector_load %arg4[%swap3A_569, %swap3A_570, %swap3A_571, %swap3A_572] {strides = array<i32>} : memref<7x14x8x64xf32, #tpu.memory_space<vmem>>, vector<1x1x1x16xf32>,
      %swap3A_574 = vector.shape_cast %swap3A_573 : vector<1x1x1x16xf32> to vector<16xf32>
      %swap3A_575 = vector.shape_cast %get3A_34 : vector<16xf32> to vector<1x1x1x16xf32>
      tpu.vector_store %arg4[%swap3A_569, %swap3A_570, %swap3A_571, %swap3A_572], %swap3A_575 {strides = array<i32>} : memref<7x14x8x64xf32, #tpu.memory_space<vmem>>, vector<1x1x1x16xf32>,
      %swap3A_576 = arith.constant 3 : i32
      %swap3A_577 = arith.index_cast %select_n3A_478 : i32 to index
      %swap3A_578 = arith.index_cast %rem3A_480 : i32 to index
      %swap3A_579 = arith.index_cast %swap3A_576 : i32 to index
      %swap3A_580 = arith.constant 0 : index
      %swap3A_581 = tpu.vector_load %arg4[%swap3A_577, %swap3A_578, %swap3A_579, %swap3A_580] {strides = array<i32>} : memref<7x14x8x64xf32, #tpu.memory_space<vmem>>, vector<1x1x1x16xf32>,
      %swap3A_582 = vector.shape_cast %swap3A_581 : vector<1x1x1x16xf32> to vector<16xf32>
      %swap3A_583 = vector.shape_cast %get3A_22 : vector<16xf32> to vector<1x1x1x16xf32>
      tpu.vector_store %arg4[%swap3A_577, %swap3A_578, %swap3A_579, %swap3A_580], %swap3A_583 {strides = array<i32>} : memref<7x14x8x64xf32, #tpu.memory_space<vmem>>, vector<1x1x1x16xf32>,
      %swap3A_584 = arith.constant 3 : i32
      %swap3A_585 = arith.index_cast %select_n3A_478 : i32 to index
      %swap3A_586 = arith.index_cast %rem3A_480 : i32 to index
      %swap3A_587 = arith.index_cast %swap3A_584 : i32 to index
      %swap3A_588 = arith.constant 16 : index
      %swap3A_589 = tpu.vector_load %arg4[%swap3A_585, %swap3A_586, %swap3A_587, %swap3A_588] {strides = array<i32>} : memref<7x14x8x64xf32, #tpu.memory_space<vmem>>, vector<1x1x1x16xf32>,
      %swap3A_590 = vector.shape_cast %swap3A_589 : vector<1x1x1x16xf32> to vector<16xf32>
      %swap3A_591 = vector.shape_cast %get3A_26 : vector<16xf32> to vector<1x1x1x16xf32>
      tpu.vector_store %arg4[%swap3A_585, %swap3A_586, %swap3A_587, %swap3A_588], %swap3A_591 {strides = array<i32>} : memref<7x14x8x64xf32, #tpu.memory_space<vmem>>, vector<1x1x1x16xf32>,
      %swap3A_592 = arith.constant 3 : i32
      %swap3A_593 = arith.index_cast %select_n3A_478 : i32 to index
      %swap3A_594 = arith.index_cast %rem3A_480 : i32 to index
      %swap3A_595 = arith.index_cast %swap3A_592 : i32 to index
      %swap3A_596 = arith.constant 32 : index
      %swap3A_597 = tpu.vector_load %arg4[%swap3A_593, %swap3A_594, %swap3A_595, %swap3A_596] {strides = array<i32>} : memref<7x14x8x64xf32, #tpu.memory_space<vmem>>, vector<1x1x1x16xf32>,
      %swap3A_598 = vector.shape_cast %swap3A_597 : vector<1x1x1x16xf32> to vector<16xf32>
      %swap3A_599 = vector.shape_cast %get3A_30 : vector<16xf32> to vector<1x1x1x16xf32>
      tpu.vector_store %arg4[%swap3A_593, %swap3A_594, %swap3A_595, %swap3A_596], %swap3A_599 {strides = array<i32>} : memref<7x14x8x64xf32, #tpu.memory_space<vmem>>, vector<1x1x1x16xf32>,
      %swap3A_600 = arith.constant 3 : i32
      %swap3A_601 = arith.index_cast %select_n3A_478 : i32 to index
      %swap3A_602 = arith.index_cast %rem3A_480 : i32 to index
      %swap3A_603 = arith.index_cast %swap3A_600 : i32 to index
      %swap3A_604 = arith.constant 48 : index
      %swap3A_605 = tpu.vector_load %arg4[%swap3A_601, %swap3A_602, %swap3A_603, %swap3A_604] {strides = array<i32>} : memref<7x14x8x64xf32, #tpu.memory_space<vmem>>, vector<1x1x1x16xf32>,
      %swap3A_606 = vector.shape_cast %swap3A_605 : vector<1x1x1x16xf32> to vector<16xf32>
      %swap3A_607 = vector.shape_cast %get3A_34 : vector<16xf32> to vector<1x1x1x16xf32>
      tpu.vector_store %arg4[%swap3A_601, %swap3A_602, %swap3A_603, %swap3A_604], %swap3A_607 {strides = array<i32>} : memref<7x14x8x64xf32, #tpu.memory_space<vmem>>, vector<1x1x1x16xf32>,
      %swap3A_608 = arith.constant 4 : i32
      %swap3A_609 = arith.index_cast %select_n3A_478 : i32 to index
      %swap3A_610 = arith.index_cast %rem3A_480 : i32 to index
      %swap3A_611 = arith.index_cast %swap3A_608 : i32 to index
      %swap3A_612 = arith.constant 0 : index
      %swap3A_613 = tpu.vector_load %arg4[%swap3A_609, %swap3A_610, %swap3A_611, %swap3A_612] {strides = array<i32>} : memref<7x14x8x64xf32, #tpu.memory_space<vmem>>, vector<1x1x1x16xf32>,
      %swap3A_614 = vector.shape_cast %swap3A_613 : vector<1x1x1x16xf32> to vector<16xf32>
      %swap3A_615 = vector.shape_cast %get3A_22 : vector<16xf32> to vector<1x1x1x16xf32>
      tpu.vector_store %arg4[%swap3A_609, %swap3A_610, %swap3A_611, %swap3A_612], %swap3A_615 {strides = array<i32>} : memref<7x14x8x64xf32, #tpu.memory_space<vmem>>, vector<1x1x1x16xf32>,
      %swap3A_616 = arith.constant 4 : i32
      %swap3A_617 = arith.index_cast %select_n3A_478 : i32 to index
      %swap3A_618 = arith.index_cast %rem3A_480 : i32 to index
      %swap3A_619 = arith.index_cast %swap3A_616 : i32 to index
      %swap3A_620 = arith.constant 16 : index
      %swap3A_621 = tpu.vector_load %arg4[%swap3A_617, %swap3A_618, %swap3A_619, %swap3A_620] {strides = array<i32>} : memref<7x14x8x64xf32, #tpu.memory_space<vmem>>, vector<1x1x1x16xf32>,
      %swap3A_622 = vector.shape_cast %swap3A_621 : vector<1x1x1x16xf32> to vector<16xf32>
      %swap3A_623 = vector.shape_cast %get3A_26 : vector<16xf32> to vector<1x1x1x16xf32>
      tpu.vector_store %arg4[%swap3A_617, %swap3A_618, %swap3A_619, %swap3A_620], %swap3A_623 {strides = array<i32>} : memref<7x14x8x64xf32, #tpu.memory_space<vmem>>, vector<1x1x1x16xf32>,
      %swap3A_624 = arith.constant 4 : i32
      %swap3A_625 = arith.index_cast %select_n3A_478 : i32 to index
      %swap3A_626 = arith.index_cast %rem3A_480 : i32 to index
      %swap3A_627 = arith.index_cast %swap3A_624 : i32 to index
      %swap3A_628 = arith.constant 32 : index
      %swap3A_629 = tpu.vector_load %arg4[%swap3A_625, %swap3A_626, %swap3A_627, %swap3A_628] {strides = array<i32>} : memref<7x14x8x64xf32, #tpu.memory_space<vmem>>, vector<1x1x1x16xf32>,
      %swap3A_630 = vector.shape_cast %swap3A_629 : vector<1x1x1x16xf32> to vector<16xf32>
      %swap3A_631 = vector.shape_cast %get3A_30 : vector<16xf32> to vector<1x1x1x16xf32>
      tpu.vector_store %arg4[%swap3A_625, %swap3A_626, %swap3A_627, %swap3A_628], %swap3A_631 {strides = array<i32>} : memref<7x14x8x64xf32, #tpu.memory_space<vmem>>, vector<1x1x1x16xf32>,
      %swap3A_632 = arith.constant 4 : i32
      %swap3A_633 = arith.index_cast %select_n3A_478 : i32 to index
      %swap3A_634 = arith.index_cast %rem3A_480 : i32 to index
      %swap3A_635 = arith.index_cast %swap3A_632 : i32 to index
      %swap3A_636 = arith.constant 48 : index
      %swap3A_637 = tpu.vector_load %arg4[%swap3A_633, %swap3A_634, %swap3A_635, %swap3A_636] {strides = array<i32>} : memref<7x14x8x64xf32, #tpu.memory_space<vmem>>, vector<1x1x1x16xf32>,
      %swap3A_638 = vector.shape_cast %swap3A_637 : vector<1x1x1x16xf32> to vector<16xf32>
      %swap3A_639 = vector.shape_cast %get3A_34 : vector<16xf32> to vector<1x1x1x16xf32>
      tpu.vector_store %arg4[%swap3A_633, %swap3A_634, %swap3A_635, %swap3A_636], %swap3A_639 {strides = array<i32>} : memref<7x14x8x64xf32, #tpu.memory_space<vmem>>, vector<1x1x1x16xf32>,
      %swap3A_640 = arith.constant 5 : i32
      %swap3A_641 = arith.index_cast %select_n3A_478 : i32 to index
      %swap3A_642 = arith.index_cast %rem3A_480 : i32 to index
      %swap3A_643 = arith.index_cast %swap3A_640 : i32 to index
      %swap3A_644 = arith.constant 0 : index
      %swap3A_645 = tpu.vector_load %arg4[%swap3A_641, %swap3A_642, %swap3A_643, %swap3A_644] {strides = array<i32>} : memref<7x14x8x64xf32, #tpu.memory_space<vmem>>, vector<1x1x1x16xf32>,
      %swap3A_646 = vector.shape_cast %swap3A_645 : vector<1x1x1x16xf32> to vector<16xf32>
      %swap3A_647 = vector.shape_cast %get3A_22 : vector<16xf32> to vector<1x1x1x16xf32>
      tpu.vector_store %arg4[%swap3A_641, %swap3A_642, %swap3A_643, %swap3A_644], %swap3A_647 {strides = array<i32>} : memref<7x14x8x64xf32, #tpu.memory_space<vmem>>, vector<1x1x1x16xf32>,
      %swap3A_648 = arith.constant 5 : i32
      %swap3A_649 = arith.index_cast %select_n3A_478 : i32 to index
      %swap3A_650 = arith.index_cast %rem3A_480 : i32 to index
      %swap3A_651 = arith.index_cast %swap3A_648 : i32 to index
      %swap3A_652 = arith.constant 16 : index
      %swap3A_653 = tpu.vector_load %arg4[%swap3A_649, %swap3A_650, %swap3A_651, %swap3A_652] {strides = array<i32>} : memref<7x14x8x64xf32, #tpu.memory_space<vmem>>, vector<1x1x1x16xf32>,
      %swap3A_654 = vector.shape_cast %swap3A_653 : vector<1x1x1x16xf32> to vector<16xf32>
      %swap3A_655 = vector.shape_cast %get3A_26 : vector<16xf32> to vector<1x1x1x16xf32>
      tpu.vector_store %arg4[%swap3A_649, %swap3A_650, %swap3A_651, %swap3A_652], %swap3A_655 {strides = array<i32>} : memref<7x14x8x64xf32, #tpu.memory_space<vmem>>, vector<1x1x1x16xf32>,
      %swap3A_656 = arith.constant 5 : i32
      %swap3A_657 = arith.index_cast %select_n3A_478 : i32 to index
      %swap3A_658 = arith.index_cast %rem3A_480 : i32 to index
      %swap3A_659 = arith.index_cast %swap3A_656 : i32 to index
      %swap3A_660 = arith.constant 32 : index
      %swap3A_661 = tpu.vector_load %arg4[%swap3A_657, %swap3A_658, %swap3A_659, %swap3A_660] {strides = array<i32>} : memref<7x14x8x64xf32, #tpu.memory_space<vmem>>, vector<1x1x1x16xf32>,
      %swap3A_662 = vector.shape_cast %swap3A_661 : vector<1x1x1x16xf32> to vector<16xf32>
      %swap3A_663 = vector.shape_cast %get3A_30 : vector<16xf32> to vector<1x1x1x16xf32>
      tpu.vector_store %arg4[%swap3A_657, %swap3A_658, %swap3A_659, %swap3A_660], %swap3A_663 {strides = array<i32>} : memref<7x14x8x64xf32, #tpu.memory_space<vmem>>, vector<1x1x1x16xf32>,
      %swap3A_664 = arith.constant 5 : i32
      %swap3A_665 = arith.index_cast %select_n3A_478 : i32 to index
      %swap3A_666 = arith.index_cast %rem3A_480 : i32 to index
      %swap3A_667 = arith.index_cast %swap3A_664 : i32 to index
      %swap3A_668 = arith.constant 48 : index
      %swap3A_669 = tpu.vector_load %arg4[%swap3A_665, %swap3A_666, %swap3A_667, %swap3A_668] {strides = array<i32>} : memref<7x14x8x64xf32, #tpu.memory_space<vmem>>, vector<1x1x1x16xf32>,
      %swap3A_670 = vector.shape_cast %swap3A_669 : vector<1x1x1x16xf32> to vector<16xf32>
      %swap3A_671 = vector.shape_cast %get3A_34 : vector<16xf32> to vector<1x1x1x16xf32>
      tpu.vector_store %arg4[%swap3A_665, %swap3A_666, %swap3A_667, %swap3A_668], %swap3A_671 {strides = array<i32>} : memref<7x14x8x64xf32, #tpu.memory_space<vmem>>, vector<1x1x1x16xf32>,
      %swap3A_672 = arith.constant 6 : i32
      %swap3A_673 = arith.index_cast %select_n3A_478 : i32 to index
      %swap3A_674 = arith.index_cast %rem3A_480 : i32 to index
      %swap3A_675 = arith.index_cast %swap3A_672 : i32 to index
      %swap3A_676 = arith.constant 0 : index
      %swap3A_677 = tpu.vector_load %arg4[%swap3A_673, %swap3A_674, %swap3A_675, %swap3A_676] {strides = array<i32>} : memref<7x14x8x64xf32, #tpu.memory_space<vmem>>, vector<1x1x1x16xf32>,
      %swap3A_678 = vector.shape_cast %swap3A_677 : vector<1x1x1x16xf32> to vector<16xf32>
      %swap3A_679 = vector.shape_cast %get3A_22 : vector<16xf32> to vector<1x1x1x16xf32>
      tpu.vector_store %arg4[%swap3A_673, %swap3A_674, %swap3A_675, %swap3A_676], %swap3A_679 {strides = array<i32>} : memref<7x14x8x64xf32, #tpu.memory_space<vmem>>, vector<1x1x1x16xf32>,
      %swap3A_680 = arith.constant 6 : i32
      %swap3A_681 = arith.index_cast %select_n3A_478 : i32 to index
      %swap3A_682 = arith.index_cast %rem3A_480 : i32 to index
      %swap3A_683 = arith.index_cast %swap3A_680 : i32 to index
      %swap3A_684 = arith.constant 16 : index
      %swap3A_685 = tpu.vector_load %arg4[%swap3A_681, %swap3A_682, %swap3A_683, %swap3A_684] {strides = array<i32>} : memref<7x14x8x64xf32, #tpu.memory_space<vmem>>, vector<1x1x1x16xf32>,
      %swap3A_686 = vector.shape_cast %swap3A_685 : vector<1x1x1x16xf32> to vector<16xf32>
      %swap3A_687 = vector.shape_cast %get3A_26 : vector<16xf32> to vector<1x1x1x16xf32>
      tpu.vector_store %arg4[%swap3A_681, %swap3A_682, %swap3A_683, %swap3A_684], %swap3A_687 {strides = array<i32>} : memref<7x14x8x64xf32, #tpu.memory_space<vmem>>, vector<1x1x1x16xf32>,
      %swap3A_688 = arith.constant 6 : i32
      %swap3A_689 = arith.index_cast %select_n3A_478 : i32 to index
      %swap3A_690 = arith.index_cast %rem3A_480 : i32 to index
      %swap3A_691 = arith.index_cast %swap3A_688 : i32 to index
      %swap3A_692 = arith.constant 32 : index
      %swap3A_693 = tpu.vector_load %arg4[%swap3A_689, %swap3A_690, %swap3A_691, %swap3A_692] {strides = array<i32>} : memref<7x14x8x64xf32, #tpu.memory_space<vmem>>, vector<1x1x1x16xf32>,
      %swap3A_694 = vector.shape_cast %swap3A_693 : vector<1x1x1x16xf32> to vector<16xf32>
      %swap3A_695 = vector.shape_cast %get3A_30 : vector<16xf32> to vector<1x1x1x16xf32>
      tpu.vector_store %arg4[%swap3A_689, %swap3A_690, %swap3A_691, %swap3A_692], %swap3A_695 {strides = array<i32>} : memref<7x14x8x64xf32, #tpu.memory_space<vmem>>, vector<1x1x1x16xf32>,
      %swap3A_696 = arith.constant 6 : i32
      %swap3A_697 = arith.index_cast %select_n3A_478 : i32 to index
      %swap3A_698 = arith.index_cast %rem3A_480 : i32 to index
      %swap3A_699 = arith.index_cast %swap3A_696 : i32 to index
      %swap3A_700 = arith.constant 48 : index
      %swap3A_701 = tpu.vector_load %arg4[%swap3A_697, %swap3A_698, %swap3A_699, %swap3A_700] {strides = array<i32>} : memref<7x14x8x64xf32, #tpu.memory_space<vmem>>, vector<1x1x1x16xf32>,
      %swap3A_702 = vector.shape_cast %swap3A_701 : vector<1x1x1x16xf32> to vector<16xf32>
      %swap3A_703 = vector.shape_cast %get3A_34 : vector<16xf32> to vector<1x1x1x16xf32>
      tpu.vector_store %arg4[%swap3A_697, %swap3A_698, %swap3A_699, %swap3A_700], %swap3A_703 {strides = array<i32>} : memref<7x14x8x64xf32, #tpu.memory_space<vmem>>, vector<1x1x1x16xf32>,
      %swap3A_704 = arith.constant 7 : i32
      %swap3A_705 = arith.index_cast %select_n3A_478 : i32 to index
      %swap3A_706 = arith.index_cast %rem3A_480 : i32 to index
      %swap3A_707 = arith.index_cast %swap3A_704 : i32 to index
      %swap3A_708 = arith.constant 0 : index
      %swap3A_709 = tpu.vector_load %arg4[%swap3A_705, %swap3A_706, %swap3A_707, %swap3A_708] {strides = array<i32>} : memref<7x14x8x64xf32, #tpu.memory_space<vmem>>, vector<1x1x1x16xf32>,
      %swap3A_710 = vector.shape_cast %swap3A_709 : vector<1x1x1x16xf32> to vector<16xf32>
      %swap3A_711 = vector.shape_cast %get3A_22 : vector<16xf32> to vector<1x1x1x16xf32>
      tpu.vector_store %arg4[%swap3A_705, %swap3A_706, %swap3A_707, %swap3A_708], %swap3A_711 {strides = array<i32>} : memref<7x14x8x64xf32, #tpu.memory_space<vmem>>, vector<1x1x1x16xf32>,
      %swap3A_712 = arith.constant 7 : i32
      %swap3A_713 = arith.index_cast %select_n3A_478 : i32 to index
      %swap3A_714 = arith.index_cast %rem3A_480 : i32 to index
      %swap3A_715 = arith.index_cast %swap3A_712 : i32 to index
      %swap3A_716 = arith.constant 16 : index
      %swap3A_717 = tpu.vector_load %arg4[%swap3A_713, %swap3A_714, %swap3A_715, %swap3A_716] {strides = array<i32>} : memref<7x14x8x64xf32, #tpu.memory_space<vmem>>, vector<1x1x1x16xf32>,
      %swap3A_718 = vector.shape_cast %swap3A_717 : vector<1x1x1x16xf32> to vector<16xf32>
      %swap3A_719 = vector.shape_cast %get3A_26 : vector<16xf32> to vector<1x1x1x16xf32>
      tpu.vector_store %arg4[%swap3A_713, %swap3A_714, %swap3A_715, %swap3A_716], %swap3A_719 {strides = array<i32>} : memref<7x14x8x64xf32, #tpu.memory_space<vmem>>, vector<1x1x1x16xf32>,
      %swap3A_720 = arith.constant 7 : i32
      %swap3A_721 = arith.index_cast %select_n3A_478 : i32 to index
      %swap3A_722 = arith.index_cast %rem3A_480 : i32 to index
      %swap3A_723 = arith.index_cast %swap3A_720 : i32 to index
      %swap3A_724 = arith.constant 32 : index
      %swap3A_725 = tpu.vector_load %arg4[%swap3A_721, %swap3A_722, %swap3A_723, %swap3A_724] {strides = array<i32>} : memref<7x14x8x64xf32, #tpu.memory_space<vmem>>, vector<1x1x1x16xf32>,
      %swap3A_726 = vector.shape_cast %swap3A_725 : vector<1x1x1x16xf32> to vector<16xf32>
      %swap3A_727 = vector.shape_cast %get3A_30 : vector<16xf32> to vector<1x1x1x16xf32>
      tpu.vector_store %arg4[%swap3A_721, %swap3A_722, %swap3A_723, %swap3A_724], %swap3A_727 {strides = array<i32>} : memref<7x14x8x64xf32, #tpu.memory_space<vmem>>, vector<1x1x1x16xf32>,
      %swap3A_728 = arith.constant 7 : i32
      %swap3A_729 = arith.index_cast %select_n3A_478 : i32 to index
      %swap3A_730 = arith.index_cast %rem3A_480 : i32 to index
      %swap3A_731 = arith.index_cast %swap3A_728 : i32 to index
      %swap3A_732 = arith.constant 48 : index
      %swap3A_733 = tpu.vector_load %arg4[%swap3A_729, %swap3A_730, %swap3A_731, %swap3A_732] {strides = array<i32>} : memref<7x14x8x64xf32, #tpu.memory_space<vmem>>, vector<1x1x1x16xf32>,
      %swap3A_734 = vector.shape_cast %swap3A_733 : vector<1x1x1x16xf32> to vector<16xf32>
      %swap3A_735 = vector.shape_cast %get3A_34 : vector<16xf32> to vector<1x1x1x16xf32>
      tpu.vector_store %arg4[%swap3A_729, %swap3A_730, %swap3A_731, %swap3A_732], %swap3A_735 {strides = array<i32>} : memref<7x14x8x64xf32, #tpu.memory_space<vmem>>, vector<1x1x1x16xf32>,
    }
    %scan3A_39 = arith.constant 98 : i32
    %dma_start3A = arith.constant 0 : i32
    %dma_start3A_40 = arith.constant 0 : i32
    %dma_start3A_41 = arith.constant 0 : i32
    %dma_start3A_42 = arith.constant 0 : i32
    %dma_start3A_43 = arith.constant 0 : i32
    %dma_start3A_44 = tpu.memref_slice %arg3[%dma_start3A, %add3A, %dma_start3A_40, %dma_start3A_41, %dma_start3A_42, %dma_start3A_43] : memref<8x32x14x14x8x64xf32, #tpu.memory_space<hbm>> -> memref<1x1x7x14x8x64xf32, #tpu.memory_space<hbm>>
    %dma_start3A_45 = tpu.memref_squeeze %dma_start3A_44 : memref<1x1x7x14x8x64xf32, #tpu.memory_space<hbm>> -> memref<7x14x8x64xf32, #tpu.memory_space<hbm>>
    %dma_start3A_46 = arith.constant 0 : i32
    %dma_start3A_47 = arith.constant 0 : i32
    %dma_start3A_48 = arith.constant 0 : i32
    %dma_start3A_49 = arith.constant 0 : i32
    %dma_start3A_50 = tpu.memref_slice %arg3[%dma_start3A, %add3A, %dma_start3A_46, %dma_start3A_47, %dma_start3A_48, %dma_start3A_49] : memref<8x32x14x14x8x64xf32, #tpu.memory_space<hbm>> -> memref<1x1x7x14x8x64xf32, #tpu.memory_space<hbm>>
    %dma_start3A_51 = tpu.memref_squeeze %dma_start3A_50 : memref<1x1x7x14x8x64xf32, #tpu.memory_space<hbm>> -> memref<7x14x8x64xf32, #tpu.memory_space<hbm>>
    tpu.enqueue_dma source(%arg4 : memref<7x14x8x64xf32, #tpu.memory_space<vmem>>) target(%dma_start3A_51 : memref<7x14x8x64xf32, #tpu.memory_space<hbm>>) target_semaphore(%arg6 : memref<!tpu.dma_semaphore, #tpu.memory_space<semaphore_mem>>)
    %dma_start3A_52 = arith.constant 0 : i32
    %dma_start3A_53 = arith.constant 7 : i32
    %dma_start3A_54 = arith.constant 0 : i32
    %dma_start3A_55 = arith.constant 0 : i32
    %dma_start3A_56 = arith.constant 0 : i32
    %dma_start3A_57 = tpu.memref_slice %arg3[%dma_start3A_52, %add3A, %dma_start3A_53, %dma_start3A_54, %dma_start3A_55, %dma_start3A_56] : memref<8x32x14x14x8x64xf32, #tpu.memory_space<hbm>> -> memref<1x1x7x14x8x64xf32, #tpu.memory_space<hbm>>
    %dma_start3A_58 = tpu.memref_squeeze %dma_start3A_57 : memref<1x1x7x14x8x64xf32, #tpu.memory_space<hbm>> -> memref<7x14x8x64xf32, #tpu.memory_space<hbm>>
    %dma_start3A_59 = arith.constant 7 : i32
    %dma_start3A_60 = arith.constant 0 : i32
    %dma_start3A_61 = arith.constant 0 : i32
    %dma_start3A_62 = arith.constant 0 : i32
    %dma_start3A_63 = tpu.memref_slice %arg3[%dma_start3A_52, %add3A, %dma_start3A_59, %dma_start3A_60, %dma_start3A_61, %dma_start3A_62] : memref<8x32x14x14x8x64xf32, #tpu.memory_space<hbm>> -> memref<1x1x7x14x8x64xf32, #tpu.memory_space<hbm>>
    %dma_start3A_64 = tpu.memref_squeeze %dma_start3A_63 : memref<1x1x7x14x8x64xf32, #tpu.memory_space<hbm>> -> memref<7x14x8x64xf32, #tpu.memory_space<hbm>>
    tpu.enqueue_dma source(%arg4 : memref<7x14x8x64xf32, #tpu.memory_space<vmem>>) target(%dma_start3A_64 : memref<7x14x8x64xf32, #tpu.memory_space<hbm>>) target_semaphore(%arg6 : memref<!tpu.dma_semaphore, #tpu.memory_space<semaphore_mem>>)
    %dma_start3A_65 = arith.constant 1 : i32
    %dma_start3A_66 = arith.constant 0 : i32
    %dma_start3A_67 = arith.constant 0 : i32
    %dma_start3A_68 = arith.constant 0 : i32
    %dma_start3A_69 = arith.constant 0 : i32
    %dma_start3A_70 = tpu.memref_slice %arg3[%dma_start3A_65, %add3A, %dma_start3A_66, %dma_start3A_67, %dma_start3A_68, %dma_start3A_69] : memref<8x32x14x14x8x64xf32, #tpu.memory_space<hbm>> -> memref<1x1x7x14x8x64xf32, #tpu.memory_space<hbm>>
    %dma_start3A_71 = tpu.memref_squeeze %dma_start3A_70 : memref<1x1x7x14x8x64xf32, #tpu.memory_space<hbm>> -> memref<7x14x8x64xf32, #tpu.memory_space<hbm>>
    %dma_start3A_72 = arith.constant 0 : i32
    %dma_start3A_73 = arith.constant 0 : i32
    %dma_start3A_74 = arith.constant 0 : i32
    %dma_start3A_75 = arith.constant 0 : i32
    %dma_start3A_76 = tpu.memref_slice %arg3[%dma_start3A_65, %add3A, %dma_start3A_72, %dma_start3A_73, %dma_start3A_74, %dma_start3A_75] : memref<8x32x14x14x8x64xf32, #tpu.memory_space<hbm>> -> memref<1x1x7x14x8x64xf32, #tpu.memory_space<hbm>>
    %dma_start3A_77 = tpu.memref_squeeze %dma_start3A_76 : memref<1x1x7x14x8x64xf32, #tpu.memory_space<hbm>> -> memref<7x14x8x64xf32, #tpu.memory_space<hbm>>
    tpu.enqueue_dma source(%arg4 : memref<7x14x8x64xf32, #tpu.memory_space<vmem>>) target(%dma_start3A_77 : memref<7x14x8x64xf32, #tpu.memory_space<hbm>>) target_semaphore(%arg6 : memref<!tpu.dma_semaphore, #tpu.memory_space<semaphore_mem>>)
    %dma_start3A_78 = arith.constant 1 : i32
    %dma_start3A_79 = arith.constant 7 : i32
    %dma_start3A_80 = arith.constant 0 : i32
    %dma_start3A_81 = arith.constant 0 : i32
    %dma_start3A_82 = arith.constant 0 : i32
    %dma_start3A_83 = tpu.memref_slice %arg3[%dma_start3A_78, %add3A, %dma_start3A_79, %dma_start3A_80, %dma_start3A_81, %dma_start3A_82] : memref<8x32x14x14x8x64xf32, #tpu.memory_space<hbm>> -> memref<1x1x7x14x8x64xf32, #tpu.memory_space<hbm>>
    %dma_start3A_84 = tpu.memref_squeeze %dma_start3A_83 : memref<1x1x7x14x8x64xf32, #tpu.memory_space<hbm>> -> memref<7x14x8x64xf32, #tpu.memory_space<hbm>>
    %dma_start3A_85 = arith.constant 7 : i32
    %dma_start3A_86 = arith.constant 0 : i32
    %dma_start3A_87 = arith.constant 0 : i32
    %dma_start3A_88 = arith.constant 0 : i32
    %dma_start3A_89 = tpu.memref_slice %arg3[%dma_start3A_78, %add3A, %dma_start3A_85, %dma_start3A_86, %dma_start3A_87, %dma_start3A_88] : memref<8x32x14x14x8x64xf32, #tpu.memory_space<hbm>> -> memref<1x1x7x14x8x64xf32, #tpu.memory_space<hbm>>
    %dma_start3A_90 = tpu.memref_squeeze %dma_start3A_89 : memref<1x1x7x14x8x64xf32, #tpu.memory_space<hbm>> -> memref<7x14x8x64xf32, #tpu.memory_space<hbm>>
    tpu.enqueue_dma source(%arg4 : memref<7x14x8x64xf32, #tpu.memory_space<vmem>>) target(%dma_start3A_90 : memref<7x14x8x64xf32, #tpu.memory_space<hbm>>) target_semaphore(%arg6 : memref<!tpu.dma_semaphore, #tpu.memory_space<semaphore_mem>>)
    %dma_start3A_91 = arith.constant 2 : i32
    %dma_start3A_92 = arith.constant 0 : i32
    %dma_start3A_93 = arith.constant 0 : i32
    %dma_start3A_94 = arith.constant 0 : i32
    %dma_start3A_95 = arith.constant 0 : i32
    %dma_start3A_96 = tpu.memref_slice %arg3[%dma_start3A_91, %add3A, %dma_start3A_92, %dma_start3A_93, %dma_start3A_94, %dma_start3A_95] : memref<8x32x14x14x8x64xf32, #tpu.memory_space<hbm>> -> memref<1x1x7x14x8x64xf32, #tpu.memory_space<hbm>>
    %dma_start3A_97 = tpu.memref_squeeze %dma_start3A_96 : memref<1x1x7x14x8x64xf32, #tpu.memory_space<hbm>> -> memref<7x14x8x64xf32, #tpu.memory_space<hbm>>
    %dma_start3A_98 = arith.constant 0 : i32
    %dma_start3A_99 = arith.constant 0 : i32
    %dma_start3A_100 = arith.constant 0 : i32
    %dma_start3A_101 = arith.constant 0 : i32
    %dma_start3A_102 = tpu.memref_slice %arg3[%dma_start3A_91, %add3A, %dma_start3A_98, %dma_start3A_99, %dma_start3A_100, %dma_start3A_101] : memref<8x32x14x14x8x64xf32, #tpu.memory_space<hbm>> -> memref<1x1x7x14x8x64xf32, #tpu.memory_space<hbm>>
    %dma_start3A_103 = tpu.memref_squeeze %dma_start3A_102 : memref<1x1x7x14x8x64xf32, #tpu.memory_space<hbm>> -> memref<7x14x8x64xf32, #tpu.memory_space<hbm>>
    tpu.enqueue_dma source(%arg4 : memref<7x14x8x64xf32, #tpu.memory_space<vmem>>) target(%dma_start3A_103 : memref<7x14x8x64xf32, #tpu.memory_space<hbm>>) target_semaphore(%arg6 : memref<!tpu.dma_semaphore, #tpu.memory_space<semaphore_mem>>)
    %dma_start3A_104 = arith.constant 2 : i32
    %dma_start3A_105 = arith.constant 7 : i32
    %dma_start3A_106 = arith.constant 0 : i32
    %dma_start3A_107 = arith.constant 0 : i32
    %dma_start3A_108 = arith.constant 0 : i32
    %dma_start3A_109 = tpu.memref_slice %arg3[%dma_start3A_104, %add3A, %dma_start3A_105, %dma_start3A_106, %dma_start3A_107, %dma_start3A_108] : memref<8x32x14x14x8x64xf32, #tpu.memory_space<hbm>> -> memref<1x1x7x14x8x64xf32, #tpu.memory_space<hbm>>
    %dma_start3A_110 = tpu.memref_squeeze %dma_start3A_109 : memref<1x1x7x14x8x64xf32, #tpu.memory_space<hbm>> -> memref<7x14x8x64xf32, #tpu.memory_space<hbm>>
    %dma_start3A_111 = arith.constant 7 : i32
    %dma_start3A_112 = arith.constant 0 : i32
    %dma_start3A_113 = arith.constant 0 : i32
    %dma_start3A_114 = arith.constant 0 : i32
    %dma_start3A_115 = tpu.memref_slice %arg3[%dma_start3A_104, %add3A, %dma_start3A_111, %dma_start3A_112, %dma_start3A_113, %dma_start3A_114] : memref<8x32x14x14x8x64xf32, #tpu.memory_space<hbm>> -> memref<1x1x7x14x8x64xf32, #tpu.memory_space<hbm>>
    %dma_start3A_116 = tpu.memref_squeeze %dma_start3A_115 : memref<1x1x7x14x8x64xf32, #tpu.memory_space<hbm>> -> memref<7x14x8x64xf32, #tpu.memory_space<hbm>>
    tpu.enqueue_dma source(%arg4 : memref<7x14x8x64xf32, #tpu.memory_space<vmem>>) target(%dma_start3A_116 : memref<7x14x8x64xf32, #tpu.memory_space<hbm>>) target_semaphore(%arg6 : memref<!tpu.dma_semaphore, #tpu.memory_space<semaphore_mem>>)
    %dma_start3A_117 = arith.constant 3 : i32
    %dma_start3A_118 = arith.constant 0 : i32
    %dma_start3A_119 = arith.constant 0 : i32
    %dma_start3A_120 = arith.constant 0 : i32
    %dma_start3A_121 = arith.constant 0 : i32
    %dma_start3A_122 = tpu.memref_slice %arg3[%dma_start3A_117, %add3A, %dma_start3A_118, %dma_start3A_119, %dma_start3A_120, %dma_start3A_121] : memref<8x32x14x14x8x64xf32, #tpu.memory_space<hbm>> -> memref<1x1x7x14x8x64xf32, #tpu.memory_space<hbm>>
    %dma_start3A_123 = tpu.memref_squeeze %dma_start3A_122 : memref<1x1x7x14x8x64xf32, #tpu.memory_space<hbm>> -> memref<7x14x8x64xf32, #tpu.memory_space<hbm>>
    %dma_start3A_124 = arith.constant 0 : i32
    %dma_start3A_125 = arith.constant 0 : i32
    %dma_start3A_126 = arith.constant 0 : i32
    %dma_start3A_127 = arith.constant 0 : i32
    %dma_start3A_128 = tpu.memref_slice %arg3[%dma_start3A_117, %add3A, %dma_start3A_124, %dma_start3A_125, %dma_start3A_126, %dma_start3A_127] : memref<8x32x14x14x8x64xf32, #tpu.memory_space<hbm>> -> memref<1x1x7x14x8x64xf32, #tpu.memory_space<hbm>>
    %dma_start3A_129 = tpu.memref_squeeze %dma_start3A_128 : memref<1x1x7x14x8x64xf32, #tpu.memory_space<hbm>> -> memref<7x14x8x64xf32, #tpu.memory_space<hbm>>
    tpu.enqueue_dma source(%arg4 : memref<7x14x8x64xf32, #tpu.memory_space<vmem>>) target(%dma_start3A_129 : memref<7x14x8x64xf32, #tpu.memory_space<hbm>>) target_semaphore(%arg6 : memref<!tpu.dma_semaphore, #tpu.memory_space<semaphore_mem>>)
    %dma_start3A_130 = arith.constant 3 : i32
    %dma_start3A_131 = arith.constant 7 : i32
    %dma_start3A_132 = arith.constant 0 : i32
    %dma_start3A_133 = arith.constant 0 : i32
    %dma_start3A_134 = arith.constant 0 : i32
    %dma_start3A_135 = tpu.memref_slice %arg3[%dma_start3A_130, %add3A, %dma_start3A_131, %dma_start3A_132, %dma_start3A_133, %dma_start3A_134] : memref<8x32x14x14x8x64xf32, #tpu.memory_space<hbm>> -> memref<1x1x7x14x8x64xf32, #tpu.memory_space<hbm>>
    %dma_start3A_136 = tpu.memref_squeeze %dma_start3A_135 : memref<1x1x7x14x8x64xf32, #tpu.memory_space<hbm>> -> memref<7x14x8x64xf32, #tpu.memory_space<hbm>>
    %dma_start3A_137 = arith.constant 7 : i32
    %dma_start3A_138 = arith.constant 0 : i32
    %dma_start3A_139 = arith.constant 0 : i32
    %dma_start3A_140 = arith.constant 0 : i32
    %dma_start3A_141 = tpu.memref_slice %arg3[%dma_start3A_130, %add3A, %dma_start3A_137, %dma_start3A_138, %dma_start3A_139, %dma_start3A_140] : memref<8x32x14x14x8x64xf32, #tpu.memory_space<hbm>> -> memref<1x1x7x14x8x64xf32, #tpu.memory_space<hbm>>
    %dma_start3A_142 = tpu.memref_squeeze %dma_start3A_141 : memref<1x1x7x14x8x64xf32, #tpu.memory_space<hbm>> -> memref<7x14x8x64xf32, #tpu.memory_space<hbm>>
    tpu.enqueue_dma source(%arg4 : memref<7x14x8x64xf32, #tpu.memory_space<vmem>>) target(%dma_start3A_142 : memref<7x14x8x64xf32, #tpu.memory_space<hbm>>) target_semaphore(%arg6 : memref<!tpu.dma_semaphore, #tpu.memory_space<semaphore_mem>>)
    %dma_start3A_143 = arith.constant 4 : i32
    %dma_start3A_144 = arith.constant 0 : i32
    %dma_start3A_145 = arith.constant 0 : i32
    %dma_start3A_146 = arith.constant 0 : i32
    %dma_start3A_147 = arith.constant 0 : i32
    %dma_start3A_148 = tpu.memref_slice %arg3[%dma_start3A_143, %add3A, %dma_start3A_144, %dma_start3A_145, %dma_start3A_146, %dma_start3A_147] : memref<8x32x14x14x8x64xf32, #tpu.memory_space<hbm>> -> memref<1x1x7x14x8x64xf32, #tpu.memory_space<hbm>>
    %dma_start3A_149 = tpu.memref_squeeze %dma_start3A_148 : memref<1x1x7x14x8x64xf32, #tpu.memory_space<hbm>> -> memref<7x14x8x64xf32, #tpu.memory_space<hbm>>
    %dma_start3A_150 = arith.constant 0 : i32
    %dma_start3A_151 = arith.constant 0 : i32
    %dma_start3A_152 = arith.constant 0 : i32
    %dma_start3A_153 = arith.constant 0 : i32
    %dma_start3A_154 = tpu.memref_slice %arg3[%dma_start3A_143, %add3A, %dma_start3A_150, %dma_start3A_151, %dma_start3A_152, %dma_start3A_153] : memref<8x32x14x14x8x64xf32, #tpu.memory_space<hbm>> -> memref<1x1x7x14x8x64xf32, #tpu.memory_space<hbm>>
    %dma_start3A_155 = tpu.memref_squeeze %dma_start3A_154 : memref<1x1x7x14x8x64xf32, #tpu.memory_space<hbm>> -> memref<7x14x8x64xf32, #tpu.memory_space<hbm>>
    tpu.enqueue_dma source(%arg4 : memref<7x14x8x64xf32, #tpu.memory_space<vmem>>) target(%dma_start3A_155 : memref<7x14x8x64xf32, #tpu.memory_space<hbm>>) target_semaphore(%arg6 : memref<!tpu.dma_semaphore, #tpu.memory_space<semaphore_mem>>)
    %dma_start3A_156 = arith.constant 4 : i32
    %dma_start3A_157 = arith.constant 7 : i32
    %dma_start3A_158 = arith.constant 0 : i32
    %dma_start3A_159 = arith.constant 0 : i32
    %dma_start3A_160 = arith.constant 0 : i32
    %dma_start3A_161 = tpu.memref_slice %arg3[%dma_start3A_156, %add3A, %dma_start3A_157, %dma_start3A_158, %dma_start3A_159, %dma_start3A_160] : memref<8x32x14x14x8x64xf32, #tpu.memory_space<hbm>> -> memref<1x1x7x14x8x64xf32, #tpu.memory_space<hbm>>
    %dma_start3A_162 = tpu.memref_squeeze %dma_start3A_161 : memref<1x1x7x14x8x64xf32, #tpu.memory_space<hbm>> -> memref<7x14x8x64xf32, #tpu.memory_space<hbm>>
    %dma_start3A_163 = arith.constant 7 : i32
    %dma_start3A_164 = arith.constant 0 : i32
    %dma_start3A_165 = arith.constant 0 : i32
    %dma_start3A_166 = arith.constant 0 : i32
    %dma_start3A_167 = tpu.memref_slice %arg3[%dma_start3A_156, %add3A, %dma_start3A_163, %dma_start3A_164, %dma_start3A_165, %dma_start3A_166] : memref<8x32x14x14x8x64xf32, #tpu.memory_space<hbm>> -> memref<1x1x7x14x8x64xf32, #tpu.memory_space<hbm>>
    %dma_start3A_168 = tpu.memref_squeeze %dma_start3A_167 : memref<1x1x7x14x8x64xf32, #tpu.memory_space<hbm>> -> memref<7x14x8x64xf32, #tpu.memory_space<hbm>>
    tpu.enqueue_dma source(%arg4 : memref<7x14x8x64xf32, #tpu.memory_space<vmem>>) target(%dma_start3A_168 : memref<7x14x8x64xf32, #tpu.memory_space<hbm>>) target_semaphore(%arg6 : memref<!tpu.dma_semaphore, #tpu.memory_space<semaphore_mem>>)
    %dma_start3A_169 = arith.constant 5 : i32
    %dma_start3A_170 = arith.constant 0 : i32
    %dma_start3A_171 = arith.constant 0 : i32
    %dma_start3A_172 = arith.constant 0 : i32
    %dma_start3A_173 = arith.constant 0 : i32
    %dma_start3A_174 = tpu.memref_slice %arg3[%dma_start3A_169, %add3A, %dma_start3A_170, %dma_start3A_171, %dma_start3A_172, %dma_start3A_173] : memref<8x32x14x14x8x64xf32, #tpu.memory_space<hbm>> -> memref<1x1x7x14x8x64xf32, #tpu.memory_space<hbm>>
    %dma_start3A_175 = tpu.memref_squeeze %dma_start3A_174 : memref<1x1x7x14x8x64xf32, #tpu.memory_space<hbm>> -> memref<7x14x8x64xf32, #tpu.memory_space<hbm>>
    %dma_start3A_176 = arith.constant 0 : i32
    %dma_start3A_177 = arith.constant 0 : i32
    %dma_start3A_178 = arith.constant 0 : i32
    %dma_start3A_179 = arith.constant 0 : i32
    %dma_start3A_180 = tpu.memref_slice %arg3[%dma_start3A_169, %add3A, %dma_start3A_176, %dma_start3A_177, %dma_start3A_178, %dma_start3A_179] : memref<8x32x14x14x8x64xf32, #tpu.memory_space<hbm>> -> memref<1x1x7x14x8x64xf32, #tpu.memory_space<hbm>>
    %dma_start3A_181 = tpu.memref_squeeze %dma_start3A_180 : memref<1x1x7x14x8x64xf32, #tpu.memory_space<hbm>> -> memref<7x14x8x64xf32, #tpu.memory_space<hbm>>
    tpu.enqueue_dma source(%arg4 : memref<7x14x8x64xf32, #tpu.memory_space<vmem>>) target(%dma_start3A_181 : memref<7x14x8x64xf32, #tpu.memory_space<hbm>>) target_semaphore(%arg6 : memref<!tpu.dma_semaphore, #tpu.memory_space<semaphore_mem>>)
    %dma_start3A_182 = arith.constant 5 : i32
    %dma_start3A_183 = arith.constant 7 : i32
    %dma_start3A_184 = arith.constant 0 : i32
    %dma_start3A_185 = arith.constant 0 : i32
    %dma_start3A_186 = arith.constant 0 : i32
    %dma_start3A_187 = tpu.memref_slice %arg3[%dma_start3A_182, %add3A, %dma_start3A_183, %dma_start3A_184, %dma_start3A_185, %dma_start3A_186] : memref<8x32x14x14x8x64xf32, #tpu.memory_space<hbm>> -> memref<1x1x7x14x8x64xf32, #tpu.memory_space<hbm>>
    %dma_start3A_188 = tpu.memref_squeeze %dma_start3A_187 : memref<1x1x7x14x8x64xf32, #tpu.memory_space<hbm>> -> memref<7x14x8x64xf32, #tpu.memory_space<hbm>>
    %dma_start3A_189 = arith.constant 7 : i32
    %dma_start3A_190 = arith.constant 0 : i32
    %dma_start3A_191 = arith.constant 0 : i32
    %dma_start3A_192 = arith.constant 0 : i32
    %dma_start3A_193 = tpu.memref_slice %arg3[%dma_start3A_182, %add3A, %dma_start3A_189, %dma_start3A_190, %dma_start3A_191, %dma_start3A_192] : memref<8x32x14x14x8x64xf32, #tpu.memory_space<hbm>> -> memref<1x1x7x14x8x64xf32, #tpu.memory_space<hbm>>
    %dma_start3A_194 = tpu.memref_squeeze %dma_start3A_193 : memref<1x1x7x14x8x64xf32, #tpu.memory_space<hbm>> -> memref<7x14x8x64xf32, #tpu.memory_space<hbm>>
    tpu.enqueue_dma source(%arg4 : memref<7x14x8x64xf32, #tpu.memory_space<vmem>>) target(%dma_start3A_194 : memref<7x14x8x64xf32, #tpu.memory_space<hbm>>) target_semaphore(%arg6 : memref<!tpu.dma_semaphore, #tpu.memory_space<semaphore_mem>>)
    %dma_start3A_195 = arith.constant 6 : i32
    %dma_start3A_196 = arith.constant 0 : i32
    %dma_start3A_197 = arith.constant 0 : i32
    %dma_start3A_198 = arith.constant 0 : i32
    %dma_start3A_199 = arith.constant 0 : i32
    %dma_start3A_200 = tpu.memref_slice %arg3[%dma_start3A_195, %add3A, %dma_start3A_196, %dma_start3A_197, %dma_start3A_198, %dma_start3A_199] : memref<8x32x14x14x8x64xf32, #tpu.memory_space<hbm>> -> memref<1x1x7x14x8x64xf32, #tpu.memory_space<hbm>>
    %dma_start3A_201 = tpu.memref_squeeze %dma_start3A_200 : memref<1x1x7x14x8x64xf32, #tpu.memory_space<hbm>> -> memref<7x14x8x64xf32, #tpu.memory_space<hbm>>
    %dma_start3A_202 = arith.constant 0 : i32
    %dma_start3A_203 = arith.constant 0 : i32
    %dma_start3A_204 = arith.constant 0 : i32
    %dma_start3A_205 = arith.constant 0 : i32
    %dma_start3A_206 = tpu.memref_slice %arg3[%dma_start3A_195, %add3A, %dma_start3A_202, %dma_start3A_203, %dma_start3A_204, %dma_start3A_205] : memref<8x32x14x14x8x64xf32, #tpu.memory_space<hbm>> -> memref<1x1x7x14x8x64xf32, #tpu.memory_space<hbm>>
    %dma_start3A_207 = tpu.memref_squeeze %dma_start3A_206 : memref<1x1x7x14x8x64xf32, #tpu.memory_space<hbm>> -> memref<7x14x8x64xf32, #tpu.memory_space<hbm>>
    tpu.enqueue_dma source(%arg4 : memref<7x14x8x64xf32, #tpu.memory_space<vmem>>) target(%dma_start3A_207 : memref<7x14x8x64xf32, #tpu.memory_space<hbm>>) target_semaphore(%arg6 : memref<!tpu.dma_semaphore, #tpu.memory_space<semaphore_mem>>)
    %dma_start3A_208 = arith.constant 6 : i32
    %dma_start3A_209 = arith.constant 7 : i32
    %dma_start3A_210 = arith.constant 0 : i32
    %dma_start3A_211 = arith.constant 0 : i32
    %dma_start3A_212 = arith.constant 0 : i32
    %dma_start3A_213 = tpu.memref_slice %arg3[%dma_start3A_208, %add3A, %dma_start3A_209, %dma_start3A_210, %dma_start3A_211, %dma_start3A_212] : memref<8x32x14x14x8x64xf32, #tpu.memory_space<hbm>> -> memref<1x1x7x14x8x64xf32, #tpu.memory_space<hbm>>
    %dma_start3A_214 = tpu.memref_squeeze %dma_start3A_213 : memref<1x1x7x14x8x64xf32, #tpu.memory_space<hbm>> -> memref<7x14x8x64xf32, #tpu.memory_space<hbm>>
    %dma_start3A_215 = arith.constant 7 : i32
    %dma_start3A_216 = arith.constant 0 : i32
    %dma_start3A_217 = arith.constant 0 : i32
    %dma_start3A_218 = arith.constant 0 : i32
    %dma_start3A_219 = tpu.memref_slice %arg3[%dma_start3A_208, %add3A, %dma_start3A_215, %dma_start3A_216, %dma_start3A_217, %dma_start3A_218] : memref<8x32x14x14x8x64xf32, #tpu.memory_space<hbm>> -> memref<1x1x7x14x8x64xf32, #tpu.memory_space<hbm>>
    %dma_start3A_220 = tpu.memref_squeeze %dma_start3A_219 : memref<1x1x7x14x8x64xf32, #tpu.memory_space<hbm>> -> memref<7x14x8x64xf32, #tpu.memory_space<hbm>>
    tpu.enqueue_dma source(%arg4 : memref<7x14x8x64xf32, #tpu.memory_space<vmem>>) target(%dma_start3A_220 : memref<7x14x8x64xf32, #tpu.memory_space<hbm>>) target_semaphore(%arg6 : memref<!tpu.dma_semaphore, #tpu.memory_space<semaphore_mem>>)
    %dma_start3A_221 = arith.constant 7 : i32
    %dma_start3A_222 = arith.constant 0 : i32
    %dma_start3A_223 = arith.constant 0 : i32
    %dma_start3A_224 = arith.constant 0 : i32
    %dma_start3A_225 = arith.constant 0 : i32
    %dma_start3A_226 = tpu.memref_slice %arg3[%dma_start3A_221, %add3A, %dma_start3A_222, %dma_start3A_223, %dma_start3A_224, %dma_start3A_225] : memref<8x32x14x14x8x64xf32, #tpu.memory_space<hbm>> -> memref<1x1x7x14x8x64xf32, #tpu.memory_space<hbm>>
    %dma_start3A_227 = tpu.memref_squeeze %dma_start3A_226 : memref<1x1x7x14x8x64xf32, #tpu.memory_space<hbm>> -> memref<7x14x8x64xf32, #tpu.memory_space<hbm>>
    %dma_start3A_228 = arith.constant 0 : i32
    %dma_start3A_229 = arith.constant 0 : i32
    %dma_start3A_230 = arith.constant 0 : i32
    %dma_start3A_231 = arith.constant 0 : i32
    %dma_start3A_232 = tpu.memref_slice %arg3[%dma_start3A_221, %add3A, %dma_start3A_228, %dma_start3A_229, %dma_start3A_230, %dma_start3A_231] : memref<8x32x14x14x8x64xf32, #tpu.memory_space<hbm>> -> memref<1x1x7x14x8x64xf32, #tpu.memory_space<hbm>>
    %dma_start3A_233 = tpu.memref_squeeze %dma_start3A_232 : memref<1x1x7x14x8x64xf32, #tpu.memory_space<hbm>> -> memref<7x14x8x64xf32, #tpu.memory_space<hbm>>
    tpu.enqueue_dma source(%arg4 : memref<7x14x8x64xf32, #tpu.memory_space<vmem>>) target(%dma_start3A_233 : memref<7x14x8x64xf32, #tpu.memory_space<hbm>>) target_semaphore(%arg6 : memref<!tpu.dma_semaphore, #tpu.memory_space<semaphore_mem>>)
    %dma_start3A_234 = arith.constant 7 : i32
    %dma_start3A_235 = arith.constant 7 : i32
    %dma_start3A_236 = arith.constant 0 : i32
    %dma_start3A_237 = arith.constant 0 : i32
    %dma_start3A_238 = arith.constant 0 : i32
    %dma_start3A_239 = tpu.memref_slice %arg3[%dma_start3A_234, %add3A, %dma_start3A_235, %dma_start3A_236, %dma_start3A_237, %dma_start3A_238] : memref<8x32x14x14x8x64xf32, #tpu.memory_space<hbm>> -> memref<1x1x7x14x8x64xf32, #tpu.memory_space<hbm>>
    %dma_start3A_240 = tpu.memref_squeeze %dma_start3A_239 : memref<1x1x7x14x8x64xf32, #tpu.memory_space<hbm>> -> memref<7x14x8x64xf32, #tpu.memory_space<hbm>>
    %dma_start3A_241 = arith.constant 7 : i32
    %dma_start3A_242 = arith.constant 0 : i32
    %dma_start3A_243 = arith.constant 0 : i32
    %dma_start3A_244 = arith.constant 0 : i32
    %dma_start3A_245 = tpu.memref_slice %arg3[%dma_start3A_234, %add3A, %dma_start3A_241, %dma_start3A_242, %dma_start3A_243, %dma_start3A_244] : memref<8x32x14x14x8x64xf32, #tpu.memory_space<hbm>> -> memref<1x1x7x14x8x64xf32, #tpu.memory_space<hbm>>
    %dma_start3A_246 = tpu.memref_squeeze %dma_start3A_245 : memref<1x1x7x14x8x64xf32, #tpu.memory_space<hbm>> -> memref<7x14x8x64xf32, #tpu.memory_space<hbm>>
    tpu.enqueue_dma source(%arg4 : memref<7x14x8x64xf32, #tpu.memory_space<vmem>>) target(%dma_start3A_246 : memref<7x14x8x64xf32, #tpu.memory_space<hbm>>) target_semaphore(%arg6 : memref<!tpu.dma_semaphore, #tpu.memory_space<semaphore_mem>>)
    %dma_wait3A = arith.constant 0 : i32
    %dma_wait3A_247 = arith.constant 0 : i32
    %dma_wait3A_248 = arith.constant 0 : i32
    %dma_wait3A_249 = arith.constant 0 : i32
    %dma_wait3A_250 = arith.constant 0 : i32
    %dma_wait3A_251 = tpu.memref_slice %arg3[%dma_wait3A, %add3A, %dma_wait3A_247, %dma_wait3A_248, %dma_wait3A_249, %dma_wait3A_250] : memref<8x32x14x14x8x64xf32, #tpu.memory_space<hbm>> -> memref<1x1x7x14x8x64xf32, #tpu.memory_space<hbm>>
    %dma_wait3A_252 = tpu.memref_squeeze %dma_wait3A_251 : memref<1x1x7x14x8x64xf32, #tpu.memory_space<hbm>> -> memref<7x14x8x64xf32, #tpu.memory_space<hbm>>
    %dma_wait3A_253 = arith.constant 0 : i32
    %dma_wait3A_254 = arith.constant 0 : i32
    %dma_wait3A_255 = arith.constant 0 : i32
    %dma_wait3A_256 = arith.constant 0 : i32
    %dma_wait3A_257 = tpu.memref_slice %arg3[%dma_wait3A, %add3A, %dma_wait3A_253, %dma_wait3A_254, %dma_wait3A_255, %dma_wait3A_256] : memref<8x32x14x14x8x64xf32, #tpu.memory_space<hbm>> -> memref<1x1x7x14x8x64xf32, #tpu.memory_space<hbm>>
    %dma_wait3A_258 = tpu.memref_squeeze %dma_wait3A_257 : memref<1x1x7x14x8x64xf32, #tpu.memory_space<hbm>> -> memref<7x14x8x64xf32, #tpu.memory_space<hbm>>
    tpu.wait_dma2 semaphore(%arg6 : memref<!tpu.dma_semaphore, #tpu.memory_space<semaphore_mem>>) src(%arg4 : memref<7x14x8x64xf32, #tpu.memory_space<vmem>>) dst(%dma_wait3A_258 : memref<7x14x8x64xf32, #tpu.memory_space<hbm>>)
    %dma_wait3A_259 = arith.constant 0 : i32
    %dma_wait3A_260 = arith.constant 7 : i32
    %dma_wait3A_261 = arith.constant 0 : i32
    %dma_wait3A_262 = arith.constant 0 : i32
    %dma_wait3A_263 = arith.constant 0 : i32
    %dma_wait3A_264 = tpu.memref_slice %arg3[%dma_wait3A_259, %add3A, %dma_wait3A_260, %dma_wait3A_261, %dma_wait3A_262, %dma_wait3A_263] : memref<8x32x14x14x8x64xf32, #tpu.memory_space<hbm>> -> memref<1x1x7x14x8x64xf32, #tpu.memory_space<hbm>>
    %dma_wait3A_265 = tpu.memref_squeeze %dma_wait3A_264 : memref<1x1x7x14x8x64xf32, #tpu.memory_space<hbm>> -> memref<7x14x8x64xf32, #tpu.memory_space<hbm>>
    %dma_wait3A_266 = arith.constant 7 : i32
    %dma_wait3A_267 = arith.constant 0 : i32
    %dma_wait3A_268 = arith.constant 0 : i32
    %dma_wait3A_269 = arith.constant 0 : i32
    %dma_wait3A_270 = tpu.memref_slice %arg3[%dma_wait3A_259, %add3A, %dma_wait3A_266, %dma_wait3A_267, %dma_wait3A_268, %dma_wait3A_269] : memref<8x32x14x14x8x64xf32, #tpu.memory_space<hbm>> -> memref<1x1x7x14x8x64xf32, #tpu.memory_space<hbm>>
    %dma_wait3A_271 = tpu.memref_squeeze %dma_wait3A_270 : memref<1x1x7x14x8x64xf32, #tpu.memory_space<hbm>> -> memref<7x14x8x64xf32, #tpu.memory_space<hbm>>
    tpu.wait_dma2 semaphore(%arg6 : memref<!tpu.dma_semaphore, #tpu.memory_space<semaphore_mem>>) src(%arg4 : memref<7x14x8x64xf32, #tpu.memory_space<vmem>>) dst(%dma_wait3A_271 : memref<7x14x8x64xf32, #tpu.memory_space<hbm>>)
    %dma_wait3A_272 = arith.constant 1 : i32
    %dma_wait3A_273 = arith.constant 0 : i32
    %dma_wait3A_274 = arith.constant 0 : i32
    %dma_wait3A_275 = arith.constant 0 : i32
    %dma_wait3A_276 = arith.constant 0 : i32
    %dma_wait3A_277 = tpu.memref_slice %arg3[%dma_wait3A_272, %add3A, %dma_wait3A_273, %dma_wait3A_274, %dma_wait3A_275, %dma_wait3A_276] : memref<8x32x14x14x8x64xf32, #tpu.memory_space<hbm>> -> memref<1x1x7x14x8x64xf32, #tpu.memory_space<hbm>>
    %dma_wait3A_278 = tpu.memref_squeeze %dma_wait3A_277 : memref<1x1x7x14x8x64xf32, #tpu.memory_space<hbm>> -> memref<7x14x8x64xf32, #tpu.memory_space<hbm>>
    %dma_wait3A_279 = arith.constant 0 : i32
    %dma_wait3A_280 = arith.constant 0 : i32
    %dma_wait3A_281 = arith.constant 0 : i32
    %dma_wait3A_282 = arith.constant 0 : i32
    %dma_wait3A_283 = tpu.memref_slice %arg3[%dma_wait3A_272, %add3A, %dma_wait3A_279, %dma_wait3A_280, %dma_wait3A_281, %dma_wait3A_282] : memref<8x32x14x14x8x64xf32, #tpu.memory_space<hbm>> -> memref<1x1x7x14x8x64xf32, #tpu.memory_space<hbm>>
    %dma_wait3A_284 = tpu.memref_squeeze %dma_wait3A_283 : memref<1x1x7x14x8x64xf32, #tpu.memory_space<hbm>> -> memref<7x14x8x64xf32, #tpu.memory_space<hbm>>
    tpu.wait_dma2 semaphore(%arg6 : memref<!tpu.dma_semaphore, #tpu.memory_space<semaphore_mem>>) src(%arg4 : memref<7x14x8x64xf32, #tpu.memory_space<vmem>>) dst(%dma_wait3A_284 : memref<7x14x8x64xf32, #tpu.memory_space<hbm>>)
    %dma_wait3A_285 = arith.constant 1 : i32
    %dma_wait3A_286 = arith.constant 7 : i32
    %dma_wait3A_287 = arith.constant 0 : i32
    %dma_wait3A_288 = arith.constant 0 : i32
    %dma_wait3A_289 = arith.constant 0 : i32
    %dma_wait3A_290 = tpu.memref_slice %arg3[%dma_wait3A_285, %add3A, %dma_wait3A_286, %dma_wait3A_287, %dma_wait3A_288, %dma_wait3A_289] : memref<8x32x14x14x8x64xf32, #tpu.memory_space<hbm>> -> memref<1x1x7x14x8x64xf32, #tpu.memory_space<hbm>>
    %dma_wait3A_291 = tpu.memref_squeeze %dma_wait3A_290 : memref<1x1x7x14x8x64xf32, #tpu.memory_space<hbm>> -> memref<7x14x8x64xf32, #tpu.memory_space<hbm>>
    %dma_wait3A_292 = arith.constant 7 : i32
    %dma_wait3A_293 = arith.constant 0 : i32
    %dma_wait3A_294 = arith.constant 0 : i32
    %dma_wait3A_295 = arith.constant 0 : i32
    %dma_wait3A_296 = tpu.memref_slice %arg3[%dma_wait3A_285, %add3A, %dma_wait3A_292, %dma_wait3A_293, %dma_wait3A_294, %dma_wait3A_295] : memref<8x32x14x14x8x64xf32, #tpu.memory_space<hbm>> -> memref<1x1x7x14x8x64xf32, #tpu.memory_space<hbm>>
    %dma_wait3A_297 = tpu.memref_squeeze %dma_wait3A_296 : memref<1x1x7x14x8x64xf32, #tpu.memory_space<hbm>> -> memref<7x14x8x64xf32, #tpu.memory_space<hbm>>
    tpu.wait_dma2 semaphore(%arg6 : memref<!tpu.dma_semaphore, #tpu.memory_space<semaphore_mem>>) src(%arg4 : memref<7x14x8x64xf32, #tpu.memory_space<vmem>>) dst(%dma_wait3A_297 : memref<7x14x8x64xf32, #tpu.memory_space<hbm>>)
    %dma_wait3A_298 = arith.constant 2 : i32
    %dma_wait3A_299 = arith.constant 0 : i32
    %dma_wait3A_300 = arith.constant 0 : i32
    %dma_wait3A_301 = arith.constant 0 : i32
    %dma_wait3A_302 = arith.constant 0 : i32
    %dma_wait3A_303 = tpu.memref_slice %arg3[%dma_wait3A_298, %add3A, %dma_wait3A_299, %dma_wait3A_300, %dma_wait3A_301, %dma_wait3A_302] : memref<8x32x14x14x8x64xf32, #tpu.memory_space<hbm>> -> memref<1x1x7x14x8x64xf32, #tpu.memory_space<hbm>>
    %dma_wait3A_304 = tpu.memref_squeeze %dma_wait3A_303 : memref<1x1x7x14x8x64xf32, #tpu.memory_space<hbm>> -> memref<7x14x8x64xf32, #tpu.memory_space<hbm>>
    %dma_wait3A_305 = arith.constant 0 : i32
    %dma_wait3A_306 = arith.constant 0 : i32
    %dma_wait3A_307 = arith.constant 0 : i32
    %dma_wait3A_308 = arith.constant 0 : i32
    %dma_wait3A_309 = tpu.memref_slice %arg3[%dma_wait3A_298, %add3A, %dma_wait3A_305, %dma_wait3A_306, %dma_wait3A_307, %dma_wait3A_308] : memref<8x32x14x14x8x64xf32, #tpu.memory_space<hbm>> -> memref<1x1x7x14x8x64xf32, #tpu.memory_space<hbm>>
    %dma_wait3A_310 = tpu.memref_squeeze %dma_wait3A_309 : memref<1x1x7x14x8x64xf32, #tpu.memory_space<hbm>> -> memref<7x14x8x64xf32, #tpu.memory_space<hbm>>
    tpu.wait_dma2 semaphore(%arg6 : memref<!tpu.dma_semaphore, #tpu.memory_space<semaphore_mem>>) src(%arg4 : memref<7x14x8x64xf32, #tpu.memory_space<vmem>>) dst(%dma_wait3A_310 : memref<7x14x8x64xf32, #tpu.memory_space<hbm>>)
    %dma_wait3A_311 = arith.constant 2 : i32
    %dma_wait3A_312 = arith.constant 7 : i32
    %dma_wait3A_313 = arith.constant 0 : i32
    %dma_wait3A_314 = arith.constant 0 : i32
    %dma_wait3A_315 = arith.constant 0 : i32
    %dma_wait3A_316 = tpu.memref_slice %arg3[%dma_wait3A_311, %add3A, %dma_wait3A_312, %dma_wait3A_313, %dma_wait3A_314, %dma_wait3A_315] : memref<8x32x14x14x8x64xf32, #tpu.memory_space<hbm>> -> memref<1x1x7x14x8x64xf32, #tpu.memory_space<hbm>>
    %dma_wait3A_317 = tpu.memref_squeeze %dma_wait3A_316 : memref<1x1x7x14x8x64xf32, #tpu.memory_space<hbm>> -> memref<7x14x8x64xf32, #tpu.memory_space<hbm>>
    %dma_wait3A_318 = arith.constant 7 : i32
    %dma_wait3A_319 = arith.constant 0 : i32
    %dma_wait3A_320 = arith.constant 0 : i32
    %dma_wait3A_321 = arith.constant 0 : i32
    %dma_wait3A_322 = tpu.memref_slice %arg3[%dma_wait3A_311, %add3A, %dma_wait3A_318, %dma_wait3A_319, %dma_wait3A_320, %dma_wait3A_321] : memref<8x32x14x14x8x64xf32, #tpu.memory_space<hbm>> -> memref<1x1x7x14x8x64xf32, #tpu.memory_space<hbm>>
    %dma_wait3A_323 = tpu.memref_squeeze %dma_wait3A_322 : memref<1x1x7x14x8x64xf32, #tpu.memory_space<hbm>> -> memref<7x14x8x64xf32, #tpu.memory_space<hbm>>
    tpu.wait_dma2 semaphore(%arg6 : memref<!tpu.dma_semaphore, #tpu.memory_space<semaphore_mem>>) src(%arg4 : memref<7x14x8x64xf32, #tpu.memory_space<vmem>>) dst(%dma_wait3A_323 : memref<7x14x8x64xf32, #tpu.memory_space<hbm>>)
    %dma_wait3A_324 = arith.constant 3 : i32
    %dma_wait3A_325 = arith.constant 0 : i32
    %dma_wait3A_326 = arith.constant 0 : i32
    %dma_wait3A_327 = arith.constant 0 : i32
    %dma_wait3A_328 = arith.constant 0 : i32
    %dma_wait3A_329 = tpu.memref_slice %arg3[%dma_wait3A_324, %add3A, %dma_wait3A_325, %dma_wait3A_326, %dma_wait3A_327, %dma_wait3A_328] : memref<8x32x14x14x8x64xf32, #tpu.memory_space<hbm>> -> memref<1x1x7x14x8x64xf32, #tpu.memory_space<hbm>>
    %dma_wait3A_330 = tpu.memref_squeeze %dma_wait3A_329 : memref<1x1x7x14x8x64xf32, #tpu.memory_space<hbm>> -> memref<7x14x8x64xf32, #tpu.memory_space<hbm>>
    %dma_wait3A_331 = arith.constant 0 : i32
    %dma_wait3A_332 = arith.constant 0 : i32
    %dma_wait3A_333 = arith.constant 0 : i32
    %dma_wait3A_334 = arith.constant 0 : i32
    %dma_wait3A_335 = tpu.memref_slice %arg3[%dma_wait3A_324, %add3A, %dma_wait3A_331, %dma_wait3A_332, %dma_wait3A_333, %dma_wait3A_334] : memref<8x32x14x14x8x64xf32, #tpu.memory_space<hbm>> -> memref<1x1x7x14x8x64xf32, #tpu.memory_space<hbm>>
    %dma_wait3A_336 = tpu.memref_squeeze %dma_wait3A_335 : memref<1x1x7x14x8x64xf32, #tpu.memory_space<hbm>> -> memref<7x14x8x64xf32, #tpu.memory_space<hbm>>
    tpu.wait_dma2 semaphore(%arg6 : memref<!tpu.dma_semaphore, #tpu.memory_space<semaphore_mem>>) src(%arg4 : memref<7x14x8x64xf32, #tpu.memory_space<vmem>>) dst(%dma_wait3A_336 : memref<7x14x8x64xf32, #tpu.memory_space<hbm>>)
    %dma_wait3A_337 = arith.constant 3 : i32
    %dma_wait3A_338 = arith.constant 7 : i32
    %dma_wait3A_339 = arith.constant 0 : i32
    %dma_wait3A_340 = arith.constant 0 : i32
    %dma_wait3A_341 = arith.constant 0 : i32
    %dma_wait3A_342 = tpu.memref_slice %arg3[%dma_wait3A_337, %add3A, %dma_wait3A_338, %dma_wait3A_339, %dma_wait3A_340, %dma_wait3A_341] : memref<8x32x14x14x8x64xf32, #tpu.memory_space<hbm>> -> memref<1x1x7x14x8x64xf32, #tpu.memory_space<hbm>>
    %dma_wait3A_343 = tpu.memref_squeeze %dma_wait3A_342 : memref<1x1x7x14x8x64xf32, #tpu.memory_space<hbm>> -> memref<7x14x8x64xf32, #tpu.memory_space<hbm>>
    %dma_wait3A_344 = arith.constant 7 : i32
    %dma_wait3A_345 = arith.constant 0 : i32
    %dma_wait3A_346 = arith.constant 0 : i32
    %dma_wait3A_347 = arith.constant 0 : i32
    %dma_wait3A_348 = tpu.memref_slice %arg3[%dma_wait3A_337, %add3A, %dma_wait3A_344, %dma_wait3A_345, %dma_wait3A_346, %dma_wait3A_347] : memref<8x32x14x14x8x64xf32, #tpu.memory_space<hbm>> -> memref<1x1x7x14x8x64xf32, #tpu.memory_space<hbm>>
    %dma_wait3A_349 = tpu.memref_squeeze %dma_wait3A_348 : memref<1x1x7x14x8x64xf32, #tpu.memory_space<hbm>> -> memref<7x14x8x64xf32, #tpu.memory_space<hbm>>
    tpu.wait_dma2 semaphore(%arg6 : memref<!tpu.dma_semaphore, #tpu.memory_space<semaphore_mem>>) src(%arg4 : memref<7x14x8x64xf32, #tpu.memory_space<vmem>>) dst(%dma_wait3A_349 : memref<7x14x8x64xf32, #tpu.memory_space<hbm>>)
    %dma_wait3A_350 = arith.constant 4 : i32
    %dma_wait3A_351 = arith.constant 0 : i32
    %dma_wait3A_352 = arith.constant 0 : i32
    %dma_wait3A_353 = arith.constant 0 : i32
    %dma_wait3A_354 = arith.constant 0 : i32
    %dma_wait3A_355 = tpu.memref_slice %arg3[%dma_wait3A_350, %add3A, %dma_wait3A_351, %dma_wait3A_352, %dma_wait3A_353, %dma_wait3A_354] : memref<8x32x14x14x8x64xf32, #tpu.memory_space<hbm>> -> memref<1x1x7x14x8x64xf32, #tpu.memory_space<hbm>>
    %dma_wait3A_356 = tpu.memref_squeeze %dma_wait3A_355 : memref<1x1x7x14x8x64xf32, #tpu.memory_space<hbm>> -> memref<7x14x8x64xf32, #tpu.memory_space<hbm>>
    %dma_wait3A_357 = arith.constant 0 : i32
    %dma_wait3A_358 = arith.constant 0 : i32
    %dma_wait3A_359 = arith.constant 0 : i32
    %dma_wait3A_360 = arith.constant 0 : i32
    %dma_wait3A_361 = tpu.memref_slice %arg3[%dma_wait3A_350, %add3A, %dma_wait3A_357, %dma_wait3A_358, %dma_wait3A_359, %dma_wait3A_360] : memref<8x32x14x14x8x64xf32, #tpu.memory_space<hbm>> -> memref<1x1x7x14x8x64xf32, #tpu.memory_space<hbm>>
    %dma_wait3A_362 = tpu.memref_squeeze %dma_wait3A_361 : memref<1x1x7x14x8x64xf32, #tpu.memory_space<hbm>> -> memref<7x14x8x64xf32, #tpu.memory_space<hbm>>
    tpu.wait_dma2 semaphore(%arg6 : memref<!tpu.dma_semaphore, #tpu.memory_space<semaphore_mem>>) src(%arg4 : memref<7x14x8x64xf32, #tpu.memory_space<vmem>>) dst(%dma_wait3A_362 : memref<7x14x8x64xf32, #tpu.memory_space<hbm>>)
    %dma_wait3A_363 = arith.constant 4 : i32
    %dma_wait3A_364 = arith.constant 7 : i32
    %dma_wait3A_365 = arith.constant 0 : i32
    %dma_wait3A_366 = arith.constant 0 : i32
    %dma_wait3A_367 = arith.constant 0 : i32
    %dma_wait3A_368 = tpu.memref_slice %arg3[%dma_wait3A_363, %add3A, %dma_wait3A_364, %dma_wait3A_365, %dma_wait3A_366, %dma_wait3A_367] : memref<8x32x14x14x8x64xf32, #tpu.memory_space<hbm>> -> memref<1x1x7x14x8x64xf32, #tpu.memory_space<hbm>>
    %dma_wait3A_369 = tpu.memref_squeeze %dma_wait3A_368 : memref<1x1x7x14x8x64xf32, #tpu.memory_space<hbm>> -> memref<7x14x8x64xf32, #tpu.memory_space<hbm>>
    %dma_wait3A_370 = arith.constant 7 : i32
    %dma_wait3A_371 = arith.constant 0 : i32
    %dma_wait3A_372 = arith.constant 0 : i32
    %dma_wait3A_373 = arith.constant 0 : i32
    %dma_wait3A_374 = tpu.memref_slice %arg3[%dma_wait3A_363, %add3A, %dma_wait3A_370, %dma_wait3A_371, %dma_wait3A_372, %dma_wait3A_373] : memref<8x32x14x14x8x64xf32, #tpu.memory_space<hbm>> -> memref<1x1x7x14x8x64xf32, #tpu.memory_space<hbm>>
    %dma_wait3A_375 = tpu.memref_squeeze %dma_wait3A_374 : memref<1x1x7x14x8x64xf32, #tpu.memory_space<hbm>> -> memref<7x14x8x64xf32, #tpu.memory_space<hbm>>
    tpu.wait_dma2 semaphore(%arg6 : memref<!tpu.dma_semaphore, #tpu.memory_space<semaphore_mem>>) src(%arg4 : memref<7x14x8x64xf32, #tpu.memory_space<vmem>>) dst(%dma_wait3A_375 : memref<7x14x8x64xf32, #tpu.memory_space<hbm>>)
    %dma_wait3A_376 = arith.constant 5 : i32
    %dma_wait3A_377 = arith.constant 0 : i32
    %dma_wait3A_378 = arith.constant 0 : i32
    %dma_wait3A_379 = arith.constant 0 : i32
    %dma_wait3A_380 = arith.constant 0 : i32
    %dma_wait3A_381 = tpu.memref_slice %arg3[%dma_wait3A_376, %add3A, %dma_wait3A_377, %dma_wait3A_378, %dma_wait3A_379, %dma_wait3A_380] : memref<8x32x14x14x8x64xf32, #tpu.memory_space<hbm>> -> memref<1x1x7x14x8x64xf32, #tpu.memory_space<hbm>>
    %dma_wait3A_382 = tpu.memref_squeeze %dma_wait3A_381 : memref<1x1x7x14x8x64xf32, #tpu.memory_space<hbm>> -> memref<7x14x8x64xf32, #tpu.memory_space<hbm>>
    %dma_wait3A_383 = arith.constant 0 : i32
    %dma_wait3A_384 = arith.constant 0 : i32
    %dma_wait3A_385 = arith.constant 0 : i32
    %dma_wait3A_386 = arith.constant 0 : i32
    %dma_wait3A_387 = tpu.memref_slice %arg3[%dma_wait3A_376, %add3A, %dma_wait3A_383, %dma_wait3A_384, %dma_wait3A_385, %dma_wait3A_386] : memref<8x32x14x14x8x64xf32, #tpu.memory_space<hbm>> -> memref<1x1x7x14x8x64xf32, #tpu.memory_space<hbm>>
    %dma_wait3A_388 = tpu.memref_squeeze %dma_wait3A_387 : memref<1x1x7x14x8x64xf32, #tpu.memory_space<hbm>> -> memref<7x14x8x64xf32, #tpu.memory_space<hbm>>
    tpu.wait_dma2 semaphore(%arg6 : memref<!tpu.dma_semaphore, #tpu.memory_space<semaphore_mem>>) src(%arg4 : memref<7x14x8x64xf32, #tpu.memory_space<vmem>>) dst(%dma_wait3A_388 : memref<7x14x8x64xf32, #tpu.memory_space<hbm>>)
    %dma_wait3A_389 = arith.constant 5 : i32
    %dma_wait3A_390 = arith.constant 7 : i32
    %dma_wait3A_391 = arith.constant 0 : i32
    %dma_wait3A_392 = arith.constant 0 : i32
    %dma_wait3A_393 = arith.constant 0 : i32
    %dma_wait3A_394 = tpu.memref_slice %arg3[%dma_wait3A_389, %add3A, %dma_wait3A_390, %dma_wait3A_391, %dma_wait3A_392, %dma_wait3A_393] : memref<8x32x14x14x8x64xf32, #tpu.memory_space<hbm>> -> memref<1x1x7x14x8x64xf32, #tpu.memory_space<hbm>>
    %dma_wait3A_395 = tpu.memref_squeeze %dma_wait3A_394 : memref<1x1x7x14x8x64xf32, #tpu.memory_space<hbm>> -> memref<7x14x8x64xf32, #tpu.memory_space<hbm>>
    %dma_wait3A_396 = arith.constant 7 : i32
    %dma_wait3A_397 = arith.constant 0 : i32
    %dma_wait3A_398 = arith.constant 0 : i32
    %dma_wait3A_399 = arith.constant 0 : i32
    %dma_wait3A_400 = tpu.memref_slice %arg3[%dma_wait3A_389, %add3A, %dma_wait3A_396, %dma_wait3A_397, %dma_wait3A_398, %dma_wait3A_399] : memref<8x32x14x14x8x64xf32, #tpu.memory_space<hbm>> -> memref<1x1x7x14x8x64xf32, #tpu.memory_space<hbm>>
    %dma_wait3A_401 = tpu.memref_squeeze %dma_wait3A_400 : memref<1x1x7x14x8x64xf32, #tpu.memory_space<hbm>> -> memref<7x14x8x64xf32, #tpu.memory_space<hbm>>
    tpu.wait_dma2 semaphore(%arg6 : memref<!tpu.dma_semaphore, #tpu.memory_space<semaphore_mem>>) src(%arg4 : memref<7x14x8x64xf32, #tpu.memory_space<vmem>>) dst(%dma_wait3A_401 : memref<7x14x8x64xf32, #tpu.memory_space<hbm>>)
    %dma_wait3A_402 = arith.constant 6 : i32
    %dma_wait3A_403 = arith.constant 0 : i32
    %dma_wait3A_404 = arith.constant 0 : i32
    %dma_wait3A_405 = arith.constant 0 : i32
    %dma_wait3A_406 = arith.constant 0 : i32
    %dma_wait3A_407 = tpu.memref_slice %arg3[%dma_wait3A_402, %add3A, %dma_wait3A_403, %dma_wait3A_404, %dma_wait3A_405, %dma_wait3A_406] : memref<8x32x14x14x8x64xf32, #tpu.memory_space<hbm>> -> memref<1x1x7x14x8x64xf32, #tpu.memory_space<hbm>>
    %dma_wait3A_408 = tpu.memref_squeeze %dma_wait3A_407 : memref<1x1x7x14x8x64xf32, #tpu.memory_space<hbm>> -> memref<7x14x8x64xf32, #tpu.memory_space<hbm>>
    %dma_wait3A_409 = arith.constant 0 : i32
    %dma_wait3A_410 = arith.constant 0 : i32
    %dma_wait3A_411 = arith.constant 0 : i32
    %dma_wait3A_412 = arith.constant 0 : i32
    %dma_wait3A_413 = tpu.memref_slice %arg3[%dma_wait3A_402, %add3A, %dma_wait3A_409, %dma_wait3A_410, %dma_wait3A_411, %dma_wait3A_412] : memref<8x32x14x14x8x64xf32, #tpu.memory_space<hbm>> -> memref<1x1x7x14x8x64xf32, #tpu.memory_space<hbm>>
    %dma_wait3A_414 = tpu.memref_squeeze %dma_wait3A_413 : memref<1x1x7x14x8x64xf32, #tpu.memory_space<hbm>> -> memref<7x14x8x64xf32, #tpu.memory_space<hbm>>
    tpu.wait_dma2 semaphore(%arg6 : memref<!tpu.dma_semaphore, #tpu.memory_space<semaphore_mem>>) src(%arg4 : memref<7x14x8x64xf32, #tpu.memory_space<vmem>>) dst(%dma_wait3A_414 : memref<7x14x8x64xf32, #tpu.memory_space<hbm>>)
    %dma_wait3A_415 = arith.constant 6 : i32
    %dma_wait3A_416 = arith.constant 7 : i32
    %dma_wait3A_417 = arith.constant 0 : i32
    %dma_wait3A_418 = arith.constant 0 : i32
    %dma_wait3A_419 = arith.constant 0 : i32
    %dma_wait3A_420 = tpu.memref_slice %arg3[%dma_wait3A_415, %add3A, %dma_wait3A_416, %dma_wait3A_417, %dma_wait3A_418, %dma_wait3A_419] : memref<8x32x14x14x8x64xf32, #tpu.memory_space<hbm>> -> memref<1x1x7x14x8x64xf32, #tpu.memory_space<hbm>>
    %dma_wait3A_421 = tpu.memref_squeeze %dma_wait3A_420 : memref<1x1x7x14x8x64xf32, #tpu.memory_space<hbm>> -> memref<7x14x8x64xf32, #tpu.memory_space<hbm>>
    %dma_wait3A_422 = arith.constant 7 : i32
    %dma_wait3A_423 = arith.constant 0 : i32
    %dma_wait3A_424 = arith.constant 0 : i32
    %dma_wait3A_425 = arith.constant 0 : i32
    %dma_wait3A_426 = tpu.memref_slice %arg3[%dma_wait3A_415, %add3A, %dma_wait3A_422, %dma_wait3A_423, %dma_wait3A_424, %dma_wait3A_425] : memref<8x32x14x14x8x64xf32, #tpu.memory_space<hbm>> -> memref<1x1x7x14x8x64xf32, #tpu.memory_space<hbm>>
    %dma_wait3A_427 = tpu.memref_squeeze %dma_wait3A_426 : memref<1x1x7x14x8x64xf32, #tpu.memory_space<hbm>> -> memref<7x14x8x64xf32, #tpu.memory_space<hbm>>
    tpu.wait_dma2 semaphore(%arg6 : memref<!tpu.dma_semaphore, #tpu.memory_space<semaphore_mem>>) src(%arg4 : memref<7x14x8x64xf32, #tpu.memory_space<vmem>>) dst(%dma_wait3A_427 : memref<7x14x8x64xf32, #tpu.memory_space<hbm>>)
    %dma_wait3A_428 = arith.constant 7 : i32
    %dma_wait3A_429 = arith.constant 0 : i32
    %dma_wait3A_430 = arith.constant 0 : i32
    %dma_wait3A_431 = arith.constant 0 : i32
    %dma_wait3A_432 = arith.constant 0 : i32
    %dma_wait3A_433 = tpu.memref_slice %arg3[%dma_wait3A_428, %add3A, %dma_wait3A_429, %dma_wait3A_430, %dma_wait3A_431, %dma_wait3A_432] : memref<8x32x14x14x8x64xf32, #tpu.memory_space<hbm>> -> memref<1x1x7x14x8x64xf32, #tpu.memory_space<hbm>>
    %dma_wait3A_434 = tpu.memref_squeeze %dma_wait3A_433 : memref<1x1x7x14x8x64xf32, #tpu.memory_space<hbm>> -> memref<7x14x8x64xf32, #tpu.memory_space<hbm>>
    %dma_wait3A_435 = arith.constant 0 : i32
    %dma_wait3A_436 = arith.constant 0 : i32
    %dma_wait3A_437 = arith.constant 0 : i32
    %dma_wait3A_438 = arith.constant 0 : i32
    %dma_wait3A_439 = tpu.memref_slice %arg3[%dma_wait3A_428, %add3A, %dma_wait3A_435, %dma_wait3A_436, %dma_wait3A_437, %dma_wait3A_438] : memref<8x32x14x14x8x64xf32, #tpu.memory_space<hbm>> -> memref<1x1x7x14x8x64xf32, #tpu.memory_space<hbm>>
    %dma_wait3A_440 = tpu.memref_squeeze %dma_wait3A_439 : memref<1x1x7x14x8x64xf32, #tpu.memory_space<hbm>> -> memref<7x14x8x64xf32, #tpu.memory_space<hbm>>
    tpu.wait_dma2 semaphore(%arg6 : memref<!tpu.dma_semaphore, #tpu.memory_space<semaphore_mem>>) src(%arg4 : memref<7x14x8x64xf32, #tpu.memory_space<vmem>>) dst(%dma_wait3A_440 : memref<7x14x8x64xf32, #tpu.memory_space<hbm>>)
    %dma_wait3A_441 = arith.constant 7 : i32
    %dma_wait3A_442 = arith.constant 7 : i32
    %dma_wait3A_443 = arith.constant 0 : i32
    %dma_wait3A_444 = arith.constant 0 : i32
    %dma_wait3A_445 = arith.constant 0 : i32
    %dma_wait3A_446 = tpu.memref_slice %arg3[%dma_wait3A_441, %add3A, %dma_wait3A_442, %dma_wait3A_443, %dma_wait3A_444, %dma_wait3A_445] : memref<8x32x14x14x8x64xf32, #tpu.memory_space<hbm>> -> memref<1x1x7x14x8x64xf32, #tpu.memory_space<hbm>>
    %dma_wait3A_447 = tpu.memref_squeeze %dma_wait3A_446 : memref<1x1x7x14x8x64xf32, #tpu.memory_space<hbm>> -> memref<7x14x8x64xf32, #tpu.memory_space<hbm>>
    %dma_wait3A_448 = arith.constant 7 : i32
    %dma_wait3A_449 = arith.constant 0 : i32
    %dma_wait3A_450 = arith.constant 0 : i32
    %dma_wait3A_451 = arith.constant 0 : i32
    %dma_wait3A_452 = tpu.memref_slice %arg3[%dma_wait3A_441, %add3A, %dma_wait3A_448, %dma_wait3A_449, %dma_wait3A_450, %dma_wait3A_451] : memref<8x32x14x14x8x64xf32, #tpu.memory_space<hbm>> -> memref<1x1x7x14x8x64xf32, #tpu.memory_space<hbm>>
    %dma_wait3A_453 = tpu.memref_squeeze %dma_wait3A_452 : memref<1x1x7x14x8x64xf32, #tpu.memory_space<hbm>> -> memref<7x14x8x64xf32, #tpu.memory_space<hbm>>
    tpu.wait_dma2 semaphore(%arg6 : memref<!tpu.dma_semaphore, #tpu.memory_space<semaphore_mem>>) src(%arg4 : memref<7x14x8x64xf32, #tpu.memory_space<vmem>>) dst(%dma_wait3A_453 : memref<7x14x8x64xf32, #tpu.memory_space<hbm>>)
    return
  }
}

</mosaic_0001>

<sc_bundles>
// kernel: _sc_embed.3.cloned.1.call-start
scs
__scs_entry_jumppad:
0x0: {  	(pc) =	sbr.rel $0x88, $3  }
0x1: {  	(tag) =	ssettag $0x0;
	lr =	simm.s32 $0x1  }
0x2: {  	[smem:$0x3FA0] =	sst lr;
	_ =	strace $0xD0000000  }
0x3: {  	_ = 	snop  }
0x4: {  	_ = 	snop  }
0x5: {  	_ = 	snop  }
0x6: {  	_ = 	snop  }
0x7: {  	_ = 	snop  }
__scs_overlays_trampoline_lowered:
0x8: {  	[smem:$0x3FAF] =	sst s0  }
0x9: {  	[smem:$0x3FB0] =	sst s1  }
0xa: {  	[smem:$0x3FB1] =	sst s2  }
0xb: {  	[smem:$0x3FB2] =	sst s3  }
0xc: {  	[smem:$0x3FB3] =	sst s4  }
0xd: {  	[smem:$0x3FB4] =	sst s5  }
0xe: {  	[smem:$0x3FB5] =	sst s6  }
0xf: {  	[smem:$0x3FB6] =	sst s7  }
0x10: {  	[smem:$0x3FB7] =	sst s8  }
0x11: {  	[smem:$0x3FB8] =	sst s9;
	s0 =	simm.s32 @!p0 $0x0  }
0x12: {  	s1 =	sld [smem:$0x3F9E];
	s0 =	simm.s32 @p0 $0x1  }
0x13: {  	[smem:$0x3FB9] =	sst s0;
	s0 =	simm.s32 @!p1 $0x0  }
0x14: {  	s2 =	sld [smem:$0x3F9D];
	s0 =	simm.s32 @p1 $0x1  }
0x15: {  	[smem:$0x3FBA] =	sst s0;
	s0 =	simm.s32 @!p2 $0x0  }
0x16: {  	s3 =	sld [smem:$0x3FDB];
	s0 =	simm.s32 @p2 $0x1  }
0x17: {  	s4 =	simm.s32 $0x1BF5;
	[smem:$0x3FBC] =	sst s0  }
0x18: {  	s0 =	sld [smem:$0x3F9F];
	_ =	swait.ge [sflag:s4], $0x0  }
0x19: {  	s7 =	sld [smem:$0x3FA0]  }
0x1a: {  	s8 =	sadd.s32 $0xFFFFE003, lr  }
0x1b: {  	s9 =	sadd.s32 $0xFFFFFEF7, lr;
	s5 =	simm.s32 $0xFFFFFFFF;
	p2 =	slt.u32 s8, $0xFFFFF086  }
0x1c: {  	p1 =	slt.u32 s9, $0xF7A;
	s5 =	simm.s32 @!p2 $0x0  }
0x1d: {  	s5 =	simm.s32 @p1 $0x1;
	p0 =	seq.s32 s7, s2  }
0x1e: {  	s7 =	smul.u32 @!p0 $0xF7A, s2;
	p2 =	seq.s32 @!p0 s5, $0x0  }
0x1f: {  	s9 =	smul.u32 $0xF7A, s1;
	s8 =	simm.s32 @!p0 $0x1BF5;
	p2 =	por !p2, p0  }
0x20: {  	[sflag:s8] =	ssyncset.s32 @!p0 $0xFFFFF086;
	s6 =	sadd.s32 @!p0 s3, s7;
	s7 =	simm.s32 @!p0 $0x108  }
0x21: {  	s3 =	sadd.s32 s3, s9;
	s6 =	sadd.s32 @!p0 $0x88, s6;
	s7 =	simm.s32 @p2 $0x1082  }
0x22: {  	[simem:s7], [sflag:s8] =	dma.local @!p0 [hbm:s6], $0xF7A  }
0x23: {  	s9 =	sor.u32 $0xD0000000, s2;
	s6 =	simm.s32 $0x108;
	_ =	swait.ge @!p0 [sflag:s8], $0x0  }
0x24: {  	s3 =	sadd.s32 $0x88, s3;
	s6 =	simm.s32 @!p1 $0x1082;
	[sflag:s4] =	ssyncset.s32 $0xFFFFF086  }
0x25: {  	[simem:s6], [sflag:s4] =	dma.local [hbm:s3], $0xF7A  }
0x26: {  	[smem:$0x3FA0] =	sst s1;
	(tag) =	ssettag s2;
	_ =	strace s9  }
0x27: {  	s1 =	sld [smem:$0x3FB0]  }
0x28: {  	s2 =	sld [smem:$0x3FB1]  }
0x29: {  	s4 =	sld [smem:$0x3FB3]  }
0x2a: {  	p0 =	seq.s32 s5, $0x0;
	s5 =	sld [smem:$0x3FB4]  }
0x2b: {  	s6 =	sld [smem:$0x3FB5]  }
0x2c: {  	s7 =	sld [smem:$0x3FB6]  }
0x2d: {  	s3 =	simm.s32 $0x108;
	s8 =	sld [smem:$0x3FB7]  }
0x2e: {  	s3 =	simm.s32 @!p0 $0x1082;
	s9 =	sld [smem:$0x3FB8]  }
0x2f: {  	lr =	sadd.s32 s0, s3;
	s0 =	sld [smem:$0x3FAF]  }
0x30: {  	s3 =	sld [smem:$0x3FB2]  }
0x31: {  	[smem:$0x3FBB] =	sst s10  }
0x32: {  	s10 =	sld [smem:$0x3FB9];
	_ =	sdelay $0x3  }
0x33: {  	p0 =	seq.s32 s10, $0x1;
	s10 =	sld [smem:$0x3FBB];
	_ =	sdelay $0x3  }
0x34: {  	[smem:$0x3FBB] =	sst s10  }
0x35: {  	s10 =	sld [smem:$0x3FBA];
	_ =	sdelay $0x3  }
0x36: {  	p1 =	seq.s32 s10, $0x1;
	s10 =	sld [smem:$0x3FBB];
	_ =	sdelay $0x3  }
0x37: {  	[smem:$0x3FBB] =	sst s10  }
0x38: {  	s10 =	sld [smem:$0x3FBC]  }
0x39: {  	_ = 	snop;
	(pc) =	sbr.ind lr, $3  }
0x3a: {  	_ = 	snop  }
0x3b: {  	_ = 	snop  }
0x3c: {  	p2 =	seq.s32 s10, $0x1;
	s10 =	sld [smem:$0x3FBB]  }
0x3d: {  	_ =	shalt  }
0x3e: {  	_ =	shalt  }
0x3f: {  	_ =	shalt  }
0x40: {  	_ =	shalt  }
0x41: {  	_ =	shalt  }
0x42: {  	_ =	shalt  }
0x43: {  	_ =	shalt  }
0x44: {  	_ =	shalt  }
0x45: {  	_ =	shalt  }
0x46: {  	_ =	shalt  }
0x47: {  	_ =	shalt  }
0x48: {  	_ =	shalt  }
0x49: {  	_ =	shalt  }
0x4a: {  	_ =	shalt  }
0x4b: {  	_ =	shalt  }
0x4c: {  	_ =	shalt  }
0x4d: {  	_ =	shalt  }
0x4e: {  	_ =	shalt  }
0x4f: {  	_ =	shalt  }
0x50: {  	_ =	shalt  }
0x51: {  	_ =	shalt  }
0x52: {  	_ =	shalt  }
0x53: {  	_ =	shalt  }
0x54: {  	_ =	shalt  }
0x55: {  	_ =	shalt  }
0x56: {  	_ =	shalt  }
0x57: {  	_ =	shalt  }
0x58: {  	_ =	shalt  }
0x59: {  	_ =	shalt  }
0x5a: {  	_ =	shalt  }
0x5b: {  	_ =	shalt  }
0x5c: {  	_ =	shalt  }
0x5d: {  	_ =	shalt  }
0x5e: {  	_ =	shalt  }
0x5f: {  	_ =	shalt  }
0x60: {  	_ =	shalt  }
0x61: {  	_ =	shalt  }
0x62: {  	_ =	shalt  }
0x63: {  	_ =	shalt  }
0x64: {  	_ =	shalt  }
0x65: {  	_ =	shalt  }
0x66: {  	_ =	shalt  }
0x67: {  	_ =	shalt  }
0x68: {  	_ =	shalt  }
0x69: {  	_ =	shalt  }
0x6a: {  	_ =	shalt  }
0x6b: {  	_ =	shalt  }
0x6c: {  	_ =	shalt  }
0x6d: {  	_ =	shalt  }
0x6e: {  	_ =	shalt  }
0x6f: {  	_ =	shalt  }
0x70: {  	_ =	shalt  }
0x71: {  	_ =	shalt  }
0x72: {  	_ =	shalt  }
0x73: {  	_ =	shalt  }
0x74: {  	_ =	shalt  }
0x75: {  	_ =	shalt  }
0x76: {  	_ =	shalt  }
0x77: {  	_ =	shalt  }
0x78: {  	_ =	shalt  }
0x79: {  	_ =	shalt  }
0x7a: {  	_ =	shalt  }
0x7b: {  	_ =	shalt  }
0x7c: {  	_ =	shalt  }
0x7d: {  	_ =	shalt  }
0x7e: {  	_ =	shalt  }
0x7f: {  	_ =	shalt  }
0x80: {  	_ =	shalt  }
0x81: {  	_ =	shalt  }
0x82: {  	_ =	shalt  }
0x83: {  	_ =	shalt  }
0x84: {  	_ =	shalt  }
0x85: {  	_ =	shalt  }
0x86: {  	_ =	shalt  }
0x87: {  	_ =	shalt  }
.Lfunc_end0:
.L_simem_size_0:
called_computation_lowered:
.L_overlay_start_0:
0x88: {  	s2 =	sld [smem:$0x3FD9]  }
0x89: {  	s3 =	sld [smem:$0x3FFE];
	_ =	sdelay $0x1  }
0x8a: {  	s1 =	srdreg.scid  }
0x8b: {  	s0 =	sand.u32 $0x1, s1  }
0x8c: {  	s17 =	sshll.u32 s0, $0xA;
	s2 =	sadd.s32 s3, s2  }
0x8d: {  	s2 =	sadd.s32 s2, s17  }
0x8e: {  	[smem:$0x3FC7] =	sst s2  }
0x8f: {  	_ = 	snop  }
0x90: {  	s2 =	sld [smem:$0x3FD0];
	(tm) =	ssettm $0x1  }
0x91: {  	s18 =	sld [smem:$0x3FFB];
	_ =	sdelay $0x3  }
0x92: {  	_ =	strace s18  }
0x93: {  	s3 =	sld [smem:$0x3FFC];
	_ =	sdelay $0x3  }
0x94: {  	_ =	strace s3  }
0x95: {  	s3 =	sld [smem:$0x3FFD];
	_ =	sdelay $0x3  }
0x96: {  	_ =	strace s3  }
0x97: {  	_ =	strace $0x8FFFFFFF  }
0x98: {  	s19 =	sld [smem:$0x3FDB];
	_ =	sdelay $0x1  }
0x99: {  	s4 =	simm.s32 $_scs_section_size  }
0x9a: {  	s5 =	simm.s32 $_size__tile_overlayer_lowered;
	s6 =	simm.s32 $_tile_overlayer_lowered  }
0x9b: {  	s22 =	simm.s32 $0x1BFF;
	s21 =	sshll.u32 s6, $0x1;
	s3 =	sadd.s32 s4, s19  }
0x9c: {  	s7 =	simm.s32 $0x0;
	s20 =	sshll.u32 s5, $0x1;
	s5 =	sadd.s32 s21, s3  }
0x9d: {  	[timem:s7], [sflag:s22] =	dma.local [hbm:s5], s20  }
0x9e: {  	_ =	swait.ge [sflag:s22], s20  }
0x9f: {  	s4 =	ssub.s32 $0x0, s20;
	[sflag:s22] =	ssyncset.done $0x0  }
0xa0: {  	[sflag:s22] =	ssyncadd.s32 s4;
	_ =	sdelay $0x1  }
0xa1: {  	s23 =	simm.s32 $0x1B8B  }
0xa2: {  	_ =	swait.ge [sflag:s23], $0x1  }
0xa3: {  	[sflag:s23] =	ssyncset.done $0x0  }
0xa4: {  	s25 =	simm.s32 $0x1B8E;
	s24 =	sld [smem:$0x3FFE];
	[sflag:s23] =	ssyncadd.s32 $0xFFFFFFFF  }
0xa5: {  	s26 =	simm.s32 $execute0_lowered;
	[smem:$0x3FD2] =	sst s25  }
0xa6: {  	s5 =	sshll.u32 s26, $0x1;
	_ =	strace $0x80000046;
	[dreg:$0x1] =	wrdreg $0xFFFFFFFF  }
0xa7: {  	s28 =	simm.s32 $_size_execute0_lowered;
	s3 =	sadd.s32 s3, s5;
	[dreg:$0x0] =	wrdreg $0x0  }
0xa8: {  	s5 =	sshll.u32 s28, $0x1;
	[dreg:$0x2] =	wrdreg s3  }
0xa9: {  	[dreg:$0x3] =	wrdreg s5  }
0xaa: {  	[dreg:$0x4] =	wrdreg $0xC0  }
0xab: {  	_ =	task [dreg:s7], $0x5FFFF  }
0xac: {  	[dreg:$0x1] =	wrdreg $0xFFFFFFFF  }
0xad: {  	[dreg:$0x0] =	wrdreg $0x60  }
0xae: {  	[dreg:$0x2] =	wrdreg s24  }
0xaf: {  	[dreg:$0x3] =	wrdreg s2  }
0xb0: {  	[dreg:$0x4] =	wrdreg $0x9  }
0xb1: {  	_ =	task.clear_ibuf [dreg:s7], $0x5FFFF;
	_ =	strace $0x90000046  }
0xb2: {  	s29 =	simm.s32 $0x9;
	_ =	strace $0x80000048  }
0xb3: {  	_ =	swait.ge [sflag:s29], $0x1  }
0xb4: {  	[sflag:s29] =	ssyncadd.s32 $0xFFFFFFFF  }
0xb5: {  	_ =	strace $0x90000048  }
0xb6: {  	_ =	sfence  }
0xb7: {  	s30 =	sld [smem:$0x0];
	_ =	sdelay $0x2  }
0xb8: {  	s31 =	sshll.u32 s1, $0xD;
	s1 =	sshrl.u32 s1, $0x2  }
0xb9: {  	s3 =	sand.u32 $0x4000, s31;
	s1 =	sadd.s32 s1, s30  }
0xba: {  	s0 =	sor.u32 s3, s0;
	s1 =	sshll.u32 s1, $0x11  }
0xbb: {  	s0 =	sor.u32 s1, s0  }
0xbc: {  	s0 =	sadd.s32 $0x8F2B, s0  }
0xbd: {  	[sflag:s0] =	ssyncadd.remote.s32 $0x1  }
0xbe: {  	_ =	sfence.sel $0xFFFF  }
0xbf: {  	[dreg:$0x0] =	wrdreg $0xFFFFFFFF;
	(pc) =	sbr.abs _section_cstart, $3  }
0xc0: {  	[dreg:$0x1] =	wrdreg $0xFFFFFFFF  }
0xc1: {  	_ =	task.clear_ibuf [dreg:s7], $0x2FFFF;
	_ =	strace $0x9FFFFFFF  }
0xc2: {  	(tm) =	ssettm $0x7FFFFFFF  }
0xc3: {  	_ =	shalt  }
tec
execute0_lowered:
.L_overlay_start_1:
0x0: {  	(tag) =	ssettag $0x1  }
0x1: {  	s3 =	rddreg [dreg:$0x0]  }
0x2: {  	s4 =	rddreg [dreg:$0x1]  }
0x3: {  	s0 =	rddreg [dreg:$0x2]  }
0x4: {  	s1 =	stileid.u32;
	s5 =	srdreg.scid  }
0x5: {  	s2 =	simm.s32 $0x0;
	s22 =	simm.s32 $0x18800;
	s23 =	simm.s32 $0x2  }
0x6: {  	s24 =	simm.s32 $0x1;
	s5 =	sand.u32 $0x1, s5;
	s6 =	sshll.u32 s1, $0x1  }
0x7: {  	s25 =	simm.s32 $0x0;
	s7 =	sshrl.u32 s1, $0x2;
	s6 =	sor.u32 s5, s6  }
0x8: {  	[smem:$0x7FF] =	sst s2;
	s8 =	sshll.u32 s7, $0x7;
	s9 =	smul.u32 $0x31000, s6  }
0x9: {  	s5 =	ssub.s32 $0x2, s5;
	_ =	strace $0x80000047;
	s7 =	sshll.u32 s7, $0xA  }
0xa: {  	s3 =	sadd.s32 s8, s3;
	s30 =	sshrl.u32 s5, $0x1;
	s31 =	sshrl.u32 s9, $0x3  }
0xb: {  	s6 =	sshll.u32 s6, $0x7;
	s21 =	ssub.s32 s5, s30;
	s4 =	sadd.s32 s4, s31  }
0xc: {  	s3 =	sadd.s32 $0x400, s3;
	s5 =	ssub.s32 s6, s7;
	s6 =	sadd.s32 $0xC4000, s4  }
0xd: {  	s7 =	sadd.s32 $0xC7100, s4;
	s8 =	sadd.s32 $0x188000, s4;
	s9 =	sadd.s32 $0x18B100, s4  }
0xe: {  	s10 =	sadd.s32 $0x24C000, s4;
	s11 =	sadd.s32 $0x3100, s4;
	s12 =	sadd.s32 $0x24F100, s4  }
0xf: {  	s13 =	sadd.s32 $0x313100, s4;
	s14 =	sadd.s32 $0x310000, s4;
	s15 =	sadd.s32 $0x3D4000, s4  }
0x10: {  	s21 =	smax.u32 s21, $0x1;
	s16 =	sadd.s32 $0x3D7100, s4;
	s18 =	sadd.s32 $0x49B100, s4  }
0x11: {  	s17 =	sadd.s32 $0x498000, s4;
	s19 =	sadd.s32 $0x55C000, s4;
	s20 =	sadd.s32 $0x55F100, s4  }
.LBB2_1:
0x12: {  	[tilespmem:s22], [sflag:$0x2] =	stream.linear.gather [hbm4b:s3+s2], $0x400, $0x38;
	[tilespmem:$0x18C00] =	vst v63  }
0x13: {  	s26 =	sand.u32 $0xFE, s2  }
0x14: {  	s26 =	sshrl.u32 s26, $0x1  }
0x15: {  	s26 =	smul.u32 $0x93, s26  }
0x16: {  	_ =	swait.ge [sflag:s23], $0x400  }
0x17: {  	[sflag:s23] =	ssyncset.done $0x0;
	s26 =	sshrl.u32 s26, $0xA  }
0x18: {  	[sflag:s23] =	ssyncadd.s32 $0xFFFFFC00;
	s28 =	smul.u32 $0xE, s26  }
0x19: {  	v1 =	vld [tilespmem:s5+$0x18830]  }
0x1a: {  	v0 =	vld [tilespmem:s5+$0x18800];
	s26 =	smul.u32 $0xE000, s26;
	s28 =	ssub.s32 $0x0, s28  }
0x1b: {  	v2 =	vld [tilespmem:s5+$0x18810];
	s28 =	sand.u32 $0xFF, s28  }
0x1c: {  	v3 =	vld [tilespmem:s5+$0x18820];
	s26 =	sshrl.u32 s26, $0x2;
	s28 =	sshll.u32 s28, $0xA  }
0x1d: {  	s26 =	sadd.s32 s28, s26  }
0x1e: {  	[tilespmem:s26+$0x3B0] =	vst v1  }
0x1f: {  	[tilespmem:s26+$0x0] =	vst v0  }
0x20: {  	[tilespmem:s26+$0x10] =	vst v2  }
0x21: {  	[tilespmem:s26+$0x20] =	vst v3  }
0x22: {  	[tilespmem:s26+$0x30] =	vst v1  }
0x23: {  	[tilespmem:s26+$0x80] =	vst v0  }
0x24: {  	[tilespmem:s26+$0x90] =	vst v2  }
0x25: {  	[tilespmem:s26+$0xA0] =	vst v3  }
0x26: {  	[tilespmem:s26+$0xB0] =	vst v1  }
0x27: {  	[tilespmem:s26+$0x100] =	vst v0  }
0x28: {  	[tilespmem:s26+$0x110] =	vst v2  }
0x29: {  	[tilespmem:s26+$0x120] =	vst v3  }
0x2a: {  	[tilespmem:s26+$0x130] =	vst v1  }
0x2b: {  	[tilespmem:s26+$0x180] =	vst v0  }
0x2c: {  	[tilespmem:s26+$0x190] =	vst v2  }
0x2d: {  	[tilespmem:s26+$0x1A0] =	vst v3  }
0x2e: {  	[tilespmem:s26+$0x1B0] =	vst v1  }
0x2f: {  	[tilespmem:s26+$0x200] =	vst v0  }
0x30: {  	[tilespmem:s26+$0x210] =	vst v2  }
0x31: {  	[tilespmem:s26+$0x220] =	vst v3  }
0x32: {  	s28 =	simm.s32 $0x1;
	[tilespmem:s26+$0x230] =	vst v1  }
0x33: {  	s29 =	simm.s32 $0x2;
	s30 =	sand.u32 $0xFE, s28;
	[tilespmem:s26+$0x280] =	vst v0  }
.LBB2_2:
0x34: {  	p0 =	sne.s32 s29, $0x61;
	s30 =	sshrl.u32 s30, $0x1;
	[tilespmem:s26+$0x290] =	vst v2  }
0x35: {  	s30 =	smul.u32 $0x93, s30;
	[tilespmem:s26+$0x2A0] =	vst v3  }
0x36: {  	[tilespmem:s26+$0x2B0] =	vst v1  }
0x37: {  	s30 =	sshrl.u32 s30, $0xA;
	[tilespmem:s26+$0x300] =	vst v0  }
0x38: {  	s31 =	smul.u32 $0xE, s30;
	[tilespmem:s26+$0x310] =	vst v2  }
0x39: {  	[tilespmem:s26+$0x320] =	vst v3  }
0x3a: {  	s30 =	smul.u32 $0xE000, s30;
	s31 =	ssub.s32 s28, s31;
	[tilespmem:s26+$0x330] =	vst v1;
	s28 =	smov.u32 s29  }
0x3b: {  	s31 =	sand.u32 $0xFF, s31;
	[tilespmem:s26+$0x380] =	vst v0  }
0x3c: {  	s30 =	sshrl.u32 s30, $0x2;
	s31 =	sshll.u32 s31, $0xA;
	[tilespmem:s26+$0x390] =	vst v2  }
0x3d: {  	[tilespmem:s26+$0x3A0] =	vst v3;
	s26 =	sadd.s32 s31, s30  }
0x3e: {  	[tilespmem:s26+$0x3B0] =	vst v1  }
0x3f: {  	[tilespmem:s26+$0x0] =	vst v0  }
0x40: {  	[tilespmem:s26+$0x10] =	vst v2  }
0x41: {  	[tilespmem:s26+$0x20] =	vst v3  }
0x42: {  	[tilespmem:s26+$0x30] =	vst v1  }
0x43: {  	[tilespmem:s26+$0x80] =	vst v0  }
0x44: {  	[tilespmem:s26+$0x90] =	vst v2  }
0x45: {  	[tilespmem:s26+$0xA0] =	vst v3  }
0x46: {  	[tilespmem:s26+$0xB0] =	vst v1  }
0x47: {  	[tilespmem:s26+$0x100] =	vst v0  }
0x48: {  	[tilespmem:s26+$0x110] =	vst v2  }
0x49: {  	[tilespmem:s26+$0x120] =	vst v3  }
0x4a: {  	[tilespmem:s26+$0x130] =	vst v1  }
0x4b: {  	[tilespmem:s26+$0x180] =	vst v0  }
0x4c: {  	[tilespmem:s26+$0x190] =	vst v2  }
0x4d: {  	[tilespmem:s26+$0x1A0] =	vst v3  }
0x4e: {  	[tilespmem:s26+$0x1B0] =	vst v1  }
.Ltmp0:
0x4f: {  	[tilespmem:s26+$0x200] =	vst v0;
	(pc) =	sbr.rel @p0 .LBB2_2-.Ltmp0, $4  }
0x50: {  	[tilespmem:s26+$0x210] =	vst v2  }
0x51: {  	[tilespmem:s26+$0x220] =	vst v3  }
0x52: {  	[tilespmem:s26+$0x230] =	vst v1  }
0x53: {  	s29 =	sadd.s32 $0x1, s29;
	s30 =	sand.u32 $0xFE, s28;
	[tilespmem:s26+$0x280] =	vst v0  }
0x54: {  	s29 =	sshrl.u32 s30, $0x1;
	[tilespmem:s26+$0x290] =	vst v2  }
0x55: {  	[tilespmem:s26+$0x2A0] =	vst v3;
	s29 =	smul.u32 $0x93, s29  }
0x56: {  	[tilespmem:s26+$0x2B0] =	vst v1  }
0x57: {  	[tilespmem:s26+$0x300] =	vst v0;
	s29 =	sshrl.u32 s29, $0xA  }
0x58: {  	[tilespmem:s26+$0x310] =	vst v2;
	s31 =	smul.u32 $0xE, s29  }
0x59: {  	[tilespmem:s26+$0x320] =	vst v3  }
0x5a: {  	[tilespmem:s26+$0x330] =	vst v1;
	s29 =	smul.u32 $0xE000, s29;
	s28 =	ssub.s32 s28, s31  }
0x5b: {  	[tilespmem:s26+$0x380] =	vst v0;
	s28 =	sand.u32 $0xFF, s28  }
0x5c: {  	[tilespmem:s26+$0x390] =	vst v2;
	s29 =	sshrl.u32 s29, $0x2;
	s28 =	sshll.u32 s28, $0xA  }
0x5d: {  	[tilespmem:s26+$0x3A0] =	vst v3;
	s28 =	sadd.s32 s28, s29  }
0x5e: {  	[tilespmem:s28+$0x3B0] =	vst v1  }
0x5f: {  	[tilespmem:s28+$0x0] =	vst v0  }
0x60: {  	[tilespmem:s28+$0x10] =	vst v2  }
0x61: {  	[tilespmem:s28+$0x20] =	vst v3  }
0x62: {  	[tilespmem:s28+$0x30] =	vst v1  }
0x63: {  	[tilespmem:s28+$0x80] =	vst v0  }
0x64: {  	[tilespmem:s28+$0x90] =	vst v2  }
0x65: {  	[tilespmem:s28+$0xA0] =	vst v3  }
0x66: {  	[tilespmem:s28+$0xB0] =	vst v1  }
0x67: {  	[tilespmem:s28+$0x100] =	vst v0  }
0x68: {  	[tilespmem:s28+$0x110] =	vst v2  }
0x69: {  	[tilespmem:s28+$0x120] =	vst v3  }
0x6a: {  	[tilespmem:s28+$0x130] =	vst v1  }
0x6b: {  	[tilespmem:s28+$0x180] =	vst v0  }
0x6c: {  	[tilespmem:s28+$0x190] =	vst v2  }
0x6d: {  	[tilespmem:s28+$0x1A0] =	vst v3  }
0x6e: {  	[tilespmem:s28+$0x1B0] =	vst v1  }
0x6f: {  	[tilespmem:s28+$0x200] =	vst v0  }
0x70: {  	[tilespmem:s28+$0x210] =	vst v2  }
0x71: {  	[tilespmem:s28+$0x220] =	vst v3  }
0x72: {  	[tilespmem:s28+$0x230] =	vst v1  }
0x73: {  	[tilespmem:s28+$0x280] =	vst v0  }
0x74: {  	[tilespmem:s28+$0x290] =	vst v2  }
0x75: {  	[tilespmem:s28+$0x2A0] =	vst v3  }
0x76: {  	[tilespmem:s28+$0x2B0] =	vst v1  }
0x77: {  	[tilespmem:s28+$0x300] =	vst v0  }
0x78: {  	[tilespmem:s28+$0x310] =	vst v2  }
0x79: {  	[tilespmem:s28+$0x320] =	vst v3  }
0x7a: {  	[tilespmem:s28+$0x330] =	vst v1  }
0x7b: {  	[tilespmem:s28+$0x380] =	vst v0  }
0x7c: {  	[tilespmem:s28+$0x390] =	vst v2  }
0x7d: {  	[tilespmem:s28+$0x3A0] =	vst v3  }
0x7e: {  	[hbm4b:s4+s2] =	stream.linear.scatter [tilespmem:s2], [sflag:$0x1], $0x18800, $0x38;
	[tilespmem:$0x18C00] =	vst v63  }
0x7f: {  	_ = 	snop  }
0x80: {  	[hbm4b:s11+s2] =	stream.linear.scatter [tilespmem:s2], [sflag:$0x1], $0x18800, $0x38;
	[tilespmem:$0x18C00] =	vst v63  }
0x81: {  	_ = 	snop  }
0x82: {  	[hbm4b:s6+s2] =	stream.linear.scatter [tilespmem:s2], [sflag:$0x1], $0x18800, $0x38;
	[tilespmem:$0x18C00] =	vst v63  }
0x83: {  	_ = 	snop  }
0x84: {  	[hbm4b:s7+s2] =	stream.linear.scatter [tilespmem:s2], [sflag:$0x1], $0x18800, $0x38;
	[tilespmem:$0x18C00] =	vst v63  }
0x85: {  	_ = 	snop  }
0x86: {  	[hbm4b:s8+s2] =	stream.linear.scatter [tilespmem:s2], [sflag:$0x1], $0x18800, $0x38;
	[tilespmem:$0x18C00] =	vst v63  }
0x87: {  	_ = 	snop  }
0x88: {  	[hbm4b:s9+s2] =	stream.linear.scatter [tilespmem:s2], [sflag:$0x1], $0x18800, $0x38;
	[tilespmem:$0x18C00] =	vst v63  }
0x89: {  	_ = 	snop  }
0x8a: {  	[hbm4b:s10+s2] =	stream.linear.scatter [tilespmem:s2], [sflag:$0x1], $0x18800, $0x38;
	[tilespmem:$0x18C00] =	vst v63  }
0x8b: {  	_ = 	snop  }
0x8c: {  	[hbm4b:s12+s2] =	stream.linear.scatter [tilespmem:s2], [sflag:$0x1], $0x18800, $0x38;
	[tilespmem:$0x18C00] =	vst v63  }
0x8d: {  	_ = 	snop  }
0x8e: {  	[hbm4b:s14+s2] =	stream.linear.scatter [tilespmem:s2], [sflag:$0x1], $0x18800, $0x38;
	[tilespmem:$0x18C00] =	vst v63  }
0x8f: {  	_ = 	snop  }
0x90: {  	[hbm4b:s13+s2] =	stream.linear.scatter [tilespmem:s2], [sflag:$0x1], $0x18800, $0x38;
	[tilespmem:$0x18C00] =	vst v63  }
0x91: {  	_ = 	snop  }
0x92: {  	[hbm4b:s15+s2] =	stream.linear.scatter [tilespmem:s2], [sflag:$0x1], $0x18800, $0x38;
	[tilespmem:$0x18C00] =	vst v63  }
0x93: {  	_ = 	snop  }
0x94: {  	[hbm4b:s16+s2] =	stream.linear.scatter [tilespmem:s2], [sflag:$0x1], $0x18800, $0x38;
	[tilespmem:$0x18C00] =	vst v63  }
0x95: {  	_ = 	snop  }
0x96: {  	[hbm4b:s17+s2] =	stream.linear.scatter [tilespmem:s2], [sflag:$0x1], $0x18800, $0x38;
	[tilespmem:$0x18C00] =	vst v63  }
0x97: {  	_ = 	snop  }
0x98: {  	[hbm4b:s18+s2] =	stream.linear.scatter [tilespmem:s2], [sflag:$0x1], $0x18800, $0x38;
	[tilespmem:$0x18C00] =	vst v63  }
0x99: {  	_ = 	snop  }
0x9a: {  	[hbm4b:s19+s2] =	stream.linear.scatter [tilespmem:s2], [sflag:$0x1], $0x18800, $0x38;
	[tilespmem:$0x18C00] =	vst v63  }
0x9b: {  	_ = 	snop  }
0x9c: {  	[hbm4b:s20+s2] =	stream.linear.scatter [tilespmem:s2], [sflag:$0x1], $0x18800, $0x38;
	[tilespmem:$0x18C00] =	vst v63  }
0x9d: {  	_ =	swait.ge [sflag:s24], $0x18800  }
0x9e: {  	[sflag:s24] =	ssyncset.done $0x0  }
0x9f: {  	[sflag:s24] =	ssyncadd.s32 $0xFFFE7800  }
0xa0: {  	_ =	swait.ge [sflag:s24], $0x18800  }
0xa1: {  	[sflag:s24] =	ssyncset.done $0x0  }
0xa2: {  	[sflag:s24] =	ssyncadd.s32 $0xFFFE7800  }
0xa3: {  	_ =	swait.ge [sflag:s24], $0x18800  }
0xa4: {  	[sflag:s24] =	ssyncset.done $0x0  }
0xa5: {  	[sflag:s24] =	ssyncadd.s32 $0xFFFE7800  }
0xa6: {  	_ =	swait.ge [sflag:s24], $0x18800  }
0xa7: {  	[sflag:s24] =	ssyncset.done $0x0  }
0xa8: {  	[sflag:s24] =	ssyncadd.s32 $0xFFFE7800  }
0xa9: {  	_ =	swait.ge [sflag:s24], $0x18800  }
0xaa: {  	[sflag:s24] =	ssyncset.done $0x0  }
0xab: {  	[sflag:s24] =	ssyncadd.s32 $0xFFFE7800  }
0xac: {  	_ =	swait.ge [sflag:s24], $0x18800  }
0xad: {  	[sflag:s24] =	ssyncset.done $0x0  }
0xae: {  	[sflag:s24] =	ssyncadd.s32 $0xFFFE7800  }
0xaf: {  	_ =	swait.ge [sflag:s24], $0x18800  }
0xb0: {  	[sflag:s24] =	ssyncset.done $0x0  }
0xb1: {  	[sflag:s24] =	ssyncadd.s32 $0xFFFE7800  }
0xb2: {  	_ =	swait.ge [sflag:s24], $0x18800  }
0xb3: {  	[sflag:s24] =	ssyncset.done $0x0  }
0xb4: {  	[sflag:s24] =	ssyncadd.s32 $0xFFFE7800  }
0xb5: {  	_ =	swait.ge [sflag:s24], $0x18800  }
0xb6: {  	[sflag:s24] =	ssyncset.done $0x0  }
0xb7: {  	[sflag:s24] =	ssyncadd.s32 $0xFFFE7800  }
0xb8: {  	_ =	swait.ge [sflag:s24], $0x18800  }
0xb9: {  	[sflag:s24] =	ssyncset.done $0x0  }
0xba: {  	[sflag:s24] =	ssyncadd.s32 $0xFFFE7800  }
0xbb: {  	_ =	swait.ge [sflag:s24], $0x18800  }
0xbc: {  	[sflag:s24] =	ssyncset.done $0x0  }
0xbd: {  	[sflag:s24] =	ssyncadd.s32 $0xFFFE7800  }
0xbe: {  	_ =	swait.ge [sflag:s24], $0x18800  }
0xbf: {  	[sflag:s24] =	ssyncset.done $0x0  }
0xc0: {  	[sflag:s24] =	ssyncadd.s32 $0xFFFE7800  }
0xc1: {  	_ =	swait.ge [sflag:s24], $0x18800  }
0xc2: {  	[sflag:s24] =	ssyncset.done $0x0  }
0xc3: {  	[sflag:s24] =	ssyncadd.s32 $0xFFFE7800  }
0xc4: {  	_ =	swait.ge [sflag:s24], $0x18800  }
0xc5: {  	[sflag:s24] =	ssyncset.done $0x0  }
0xc6: {  	s25 =	sadd.s32 $0x1, s25;
	[sflag:s24] =	ssyncadd.s32 $0xFFFE7800  }
0xc7: {  	p0 =	sne.s32 s25, s21;
	_ =	swait.ge [sflag:s24], $0x18800  }
.Ltmp1:
0xc8: {  	[sflag:s24] =	ssyncset.done $0x0;
	(pc) =	sbr.rel @p0 .LBB2_1-.Ltmp1, $4  }
0xc9: {  	[sflag:s24] =	ssyncadd.s32 $0xFFFE7800  }
0xca: {  	_ =	swait.ge [sflag:s24], $0x18800  }
0xcb: {  	[sflag:s24] =	ssyncset.done $0x0  }
0xcc: {  	[sflag:s24] =	ssyncadd.s32 $0xFFFE7800  }
0xcd: {  	_ =	sfence.sel $0x180000  }
0xce: {  	[bflag:$0x0] =	sbarrier.arrive $0xFFFF  }
0xcf: {  	p0 =	sne.s32 s1, $0x0;
	_ =	strace $0x90000047  }
0xd0: {  	s0 =	sadd.s32 @!p0 $0x100000, s0;
	[bflag:$0x2] =	sbarrier.arrive $0xFFFF  }
0xd1: {  	[sflag:s0] =	ssyncadd.tile.s32 @!p0 $0x1;
	_ =	shalt  }
.Lfunc_end2:
_tile_overlayer_lowered:
.L_overlay_start_2:
0xd2: {  	(tag) =	ssettag $0x2  }
0xd3: {  	s0 =	rddreg [dreg:$0x0];
	s2 =	stileid.u32  }
0xd4: {  	s1 =	rddreg [dreg:$0x1];
	p0 =	sne.s32 s2, $0x0  }
0xd5: {  	s3 =	rddreg [dreg:$0x2];
	[bflag:$0x3] =	sbarrier.arrive $0xFFFF;
	s2 =	simm.s32 @!p0 $0x1C02  }
0xd6: {  	[timem:s3], [sflag:s2] =	dma.local @!p0 [hbm:s0], s1  }
0xd7: {  	s0 =	simm.s32 @!p0 $0x2  }
0xd8: {  	_ =	swait.ge @!p0 [sflag:s0], s1  }
0xd9: {  	s1 =	ssub.s32 @!p0 $0x0, s1;
	[sflag:s0] =	ssyncset.done @!p0 $0x0  }
0xda: {  	[sflag:s0] =	ssyncadd.s32 @!p0 s1  }
0xdb: {  	[bflag:$0x3] =	sbarrier.arrive $0xFFFF  }
0xdc: {  	_ =	shalt  }

</sc_bundles>
